<compile_context>
chip_gen: v7x
topology: tpu7x:2x2x1
jax: 0.10.2.dev20260603
libtpu: 0.0.44.dev20260713+nightly
codegen_flags: <defaults>
</compile_context>

<pallas_src>
import functools

import jax
import jax.numpy as jnp
from jax import lax
from jax.experimental import pallas as pl
from jax.experimental.pallas import tpu as pltpu
from jax.experimental.pallas import tpu_sc as plsc

N_NODES = 10000
N_EDGES = 320000
D = 128

NC = 2
NS = 16
NW = NC * NS

CHUNK = 128
E_PAD = 327680
CHUNKS = E_PAD // (NW * CHUNK)
HALF = CHUNKS // 2
N_PAD = 10240
ROWS_PER_TILE = N_PAD // NS

_mesh = plsc.VectorSubcoreMesh(core_axis_name="c", subcore_axis_name="s")


@functools.partial(
    pl.kernel,
    mesh=_mesh,
    out_type=jax.ShapeDtypeStruct((NC, N_PAD, D), jnp.float32),
    scratch_types=[
        pltpu.VMEM((HALF, CHUNK), jnp.int32),
        pltpu.VMEM((HALF, CHUNK), jnp.int32),
        pltpu.VMEM((2, CHUNK, D), jnp.float32),
        pltpu.VMEM_SHARED((N_PAD, D), jnp.float32),
        pltpu.SemaphoreType.DMA,
        pltpu.SemaphoreType.DMA,
        pltpu.SemaphoreType.DMA,
        pltpu.SemaphoreType.DMA,
    ],
)
def _sc_agg(src_hbm, dst_hbm, x_hbm, out_hbm, src_v, dst_v, rows_v, acc_sh,
            gsem0, gsem1, ssem0, ssem1):
    cid = lax.axis_index("c")
    sid = lax.axis_index("s")
    wid = sid * NC + cid

    pltpu.async_copy(src_hbm.at[wid, pl.ds(0, HALF)], src_v, ssem0)
    pltpu.async_copy(dst_hbm.at[wid, pl.ds(0, HALF)], dst_v, ssem1)

    zval = jnp.zeros((16,), jnp.float32)

    def zstore(r, carry):
        for cc in range(D // 16):
            rows_v[0, r, pl.ds(cc * 16, 16)] = zval
        return carry

    lax.fori_loop(0, CHUNK, zstore, 0)
    zbase = sid * ROWS_PER_TILE
    for k in range(ROWS_PER_TILE // CHUNK):
        pltpu.async_copy(rows_v.at[0],
                         acc_sh.at[pl.ds(zbase + k * CHUNK, CHUNK)], gsem0)
    for k in range(ROWS_PER_TILE // CHUNK):
        pltpu.make_async_copy(rows_v.at[0],
                              acc_sh.at[pl.ds(zbase + k * CHUNK, CHUNK)],
                              gsem0).wait()
    pltpu.make_async_copy(src_hbm.at[wid, pl.ds(0, HALF)], src_v, ssem0).wait()
    pltpu.make_async_copy(dst_hbm.at[wid, pl.ds(0, HALF)], dst_v, ssem1).wait()

    plsc.subcore_barrier()

    gsems = (gsem0, gsem1)

    def fire_g(j, p):
        pltpu.async_copy(x_hbm.at[src_v.at[j]], rows_v.at[p], gsems[p])

    def wait_g(j, p):
        pltpu.make_async_copy(x_hbm.at[src_v.at[j]], rows_v.at[p], gsems[p]).wait()

    def scat(j, p):
        pltpu.sync_copy(rows_v.at[p], acc_sh.at[dst_v.at[j]], add=True)

    for h in range(2):
        if h == 1:
            pltpu.sync_copy(src_hbm.at[wid, pl.ds(HALF, HALF)], src_v)
            pltpu.sync_copy(dst_hbm.at[wid, pl.ds(HALF, HALF)], dst_v)

        fire_g(0, 0)

        def body(i, carry):
            j = 2 * i
            fire_g(j + 1, 1)
            wait_g(j, 0)
            scat(j, 0)
            fire_g(j + 2, 0)
            wait_g(j + 1, 1)
            scat(j + 1, 1)
            return carry

        lax.fori_loop(0, HALF // 2 - 1, body, 0)
        fire_g(HALF - 1, 1)
        wait_g(HALF - 2, 0)
        scat(HALF - 2, 0)
        wait_g(HALF - 1, 1)
        scat(HALF - 1, 1)

    plsc.subcore_barrier()

    pltpu.sync_copy(
        acc_sh.at[pl.ds(zbase, ROWS_PER_TILE)],
        out_hbm.at[cid, pl.ds(zbase, ROWS_PER_TILE)],
    )


_TC_BLOCK = 2000


def _tc_body(x_ref, a0_ref, a1_ref, wt_ref, b_ref, o_ref):
    h = x_ref[...] + a0_ref[...] + a1_ref[...]
    o_ref[...] = (
        jnp.dot(h, wt_ref[...], preferred_element_type=jnp.float32) + b_ref[...]
    )


def _tc_linear(x, a0, a1, wt, b2d):
    grid = (N_NODES // _TC_BLOCK,)
    row_spec = pl.BlockSpec((_TC_BLOCK, D), lambda i: (i, 0))
    full_spec = pl.BlockSpec((D, D), lambda i: (0, 0))
    b_spec = pl.BlockSpec((1, D), lambda i: (0, 0))
    return pl.pallas_call(
        _tc_body,
        grid=grid,
        in_specs=[row_spec, row_spec, row_spec, full_spec, b_spec],
        out_specs=row_spec,
        out_shape=jax.ShapeDtypeStruct((N_NODES, D), jnp.float32),
    )(x, a0, a1, wt, b2d)


def kernel(x, edge_index, W, b):
    src = edge_index[0].astype(jnp.int32)
    dst = edge_index[1].astype(jnp.int32)
    per_w = N_EDGES // NW
    pad_w = CHUNKS * CHUNK - per_w
    pad_dst_row = N_NODES + jnp.arange(pad_w, dtype=jnp.int32)
    pad_src_row = (jnp.arange(pad_w, dtype=jnp.int32) * 41) % N_NODES
    src_p = jnp.concatenate(
        [src.reshape(NW, per_w), jnp.broadcast_to(pad_src_row, (NW, pad_w))], axis=1)
    dst_p = jnp.concatenate(
        [dst.reshape(NW, per_w), jnp.broadcast_to(pad_dst_row, (NW, pad_w))], axis=1)
    src_p = src_p.reshape(NW, CHUNKS, CHUNK)
    dst_p = dst_p.reshape(NW, CHUNKS, CHUNK)
    agg = _sc_agg(src_p, dst_p, x)
    return _tc_linear(x, agg[0], agg[1], W.T, b.reshape(1, D))

# --- scband reference (transcript-rebuilt; emitter-appended) ---
"""Pipeline reference for scband-dglginconv-53884659696296 (READ-ONLY COPY).

The authoritative reference and input builder live on the scoring server;
editing this copy changes nothing except your own understanding.
"""

import jax, jax.numpy as jnp
import numpy as np

N_NODES = 10000
N_EDGES = 320000
D_IN = 128
D_OUT = 128
EPS = 0.0

def setup_inputs(seed: int = 0) -> dict:
    key = jax.random.key(seed)
    k1, k2, k3, k4 = jax.random.split(key, 4)
    x = jax.random.normal(k1, (N_NODES, D_IN), dtype=jnp.float32)
    edge_index = jax.random.randint(k2, (2, N_EDGES), 0, N_NODES, dtype=jnp.int64)
    # Linear(n_input_features, n_output_features) parameters (torch convention: W [out, in])
    bound = 1.0 / np.sqrt(D_IN)
    W = jax.random.uniform(k3, (D_OUT, D_IN), minval=-bound, maxval=bound, dtype=jnp.float32)
    b = jax.random.uniform(k4, (D_OUT,), minval=-bound, maxval=bound, dtype=jnp.float32)
    return {"x": x, "edge_index": edge_index, "W": W, "b": b}

def reference(x, edge_index, W, b):
    # DGLGINConv with dropout=0.0 (identity), aggregator_type='sum', eps=0, activation=None
    # GINConv: h = (1 + eps) * x + sum_{j in N(i)} x_j ; out = Linear(h)
    src = edge_index[0]
    dst = edge_index[1]
    msgs = jnp.take(x, src, axis=0)              # gather source node features
    agg = jax.ops.segment_sum(msgs, dst, num_segments=x.shape[0])  # scatter-add to dst
    h = (1.0 + EPS) * x + agg
    out = h @ W.T + b
    return out

if __name__ == "__main__":
    import jax
    _d = setup_inputs()
    print(jax.jit(kernel)(*tuple(_d.values())))

</pallas_src>

<mosaic_0001>
#map = affine_map<(d0, d1) -> (0, 0, 0)>
#map1 = affine_map<(d0, d1) -> (0, 0)>
module attributes {stable_mosaic.version = 14 : i64} {
  func.func @_sc_agg(%arg0: i32, %arg1: i32, %arg2: memref<32x80x128xi32, #tpu.memory_space<hbm>>, %arg3: memref<32x80x128xi32, #tpu.memory_space<hbm>>, %arg4: memref<10000x128xf32, #tpu.memory_space<hbm>>, %arg5: memref<2x10240x128xf32, #tpu.memory_space<hbm>>, %arg6: memref<40x128xi32, #tpu.memory_space<vmem>>, %arg7: memref<40x128xi32, #tpu.memory_space<vmem>>, %arg8: memref<2x128x128xf32, #tpu.memory_space<vmem>>, %arg9: memref<10240x128xf32, #tpu.memory_space<vmem_shared>>, %arg10: memref<!tpu.dma_semaphore, #tpu.memory_space<semaphore_mem>>, %arg11: memref<!tpu.dma_semaphore, #tpu.memory_space<semaphore_mem>>, %arg12: memref<!tpu.dma_semaphore, #tpu.memory_space<semaphore_mem>>, %arg13: memref<!tpu.dma_semaphore, #tpu.memory_space<semaphore_mem>>) attributes {dimension_semantics = [#tpu.dimension_semantics<core_parallel>, #tpu.dimension_semantics<subcore_parallel>], iteration_bounds = array<i64: 2, 16>, scalar_prefetch = 0 : i64, scratch_operands = 8 : i64, tpu.core_type = #tpu.core_type<sc_vector_subcore>, window_params = [{transform_indices = #map}, {transform_indices = #map}, {transform_indices = #map1}, {transform_indices = #map}]} {
    %mul3A = arith.constant 2 : i32
    %mul3A_0 = arith.muli %arg1, %mul3A : i32
    %add3A = arith.addi %mul3A_0, %arg0 : i32
    %dma_start3A = arith.constant 0 : i32
    %dma_start3A_1 = arith.constant 0 : i32
    %dma_start3A_2 = tpu.memref_slice %arg2[%add3A, %dma_start3A, %dma_start3A_1] : memref<32x80x128xi32, #tpu.memory_space<hbm>> -> memref<1x40x128xi32, #tpu.memory_space<hbm>>
    %dma_start3A_3 = tpu.memref_squeeze %dma_start3A_2 : memref<1x40x128xi32, #tpu.memory_space<hbm>> -> memref<40x128xi32, #tpu.memory_space<hbm>>
    %dma_start3A_4 = arith.constant 0 : i32
    %dma_start3A_5 = arith.constant 0 : i32
    %dma_start3A_6 = tpu.memref_slice %arg2[%add3A, %dma_start3A_4, %dma_start3A_5] : memref<32x80x128xi32, #tpu.memory_space<hbm>> -> memref<1x40x128xi32, #tpu.memory_space<hbm>>
    %dma_start3A_7 = tpu.memref_squeeze %dma_start3A_6 : memref<1x40x128xi32, #tpu.memory_space<hbm>> -> memref<40x128xi32, #tpu.memory_space<hbm>>
    tpu.enqueue_dma source(%dma_start3A_7 : memref<40x128xi32, #tpu.memory_space<hbm>>) target(%arg6 : memref<40x128xi32, #tpu.memory_space<vmem>>) target_semaphore(%arg12 : memref<!tpu.dma_semaphore, #tpu.memory_space<semaphore_mem>>)
    %dma_start3A_8 = arith.constant 0 : i32
    %dma_start3A_9 = arith.constant 0 : i32
    %dma_start3A_10 = tpu.memref_slice %arg3[%add3A, %dma_start3A_8, %dma_start3A_9] : memref<32x80x128xi32, #tpu.memory_space<hbm>> -> memref<1x40x128xi32, #tpu.memory_space<hbm>>
    %dma_start3A_11 = tpu.memref_squeeze %dma_start3A_10 : memref<1x40x128xi32, #tpu.memory_space<hbm>> -> memref<40x128xi32, #tpu.memory_space<hbm>>
    %dma_start3A_12 = arith.constant 0 : i32
    %dma_start3A_13 = arith.constant 0 : i32
    %dma_start3A_14 = tpu.memref_slice %arg3[%add3A, %dma_start3A_12, %dma_start3A_13] : memref<32x80x128xi32, #tpu.memory_space<hbm>> -> memref<1x40x128xi32, #tpu.memory_space<hbm>>
    %dma_start3A_15 = tpu.memref_squeeze %dma_start3A_14 : memref<1x40x128xi32, #tpu.memory_space<hbm>> -> memref<40x128xi32, #tpu.memory_space<hbm>>
    tpu.enqueue_dma source(%dma_start3A_15 : memref<40x128xi32, #tpu.memory_space<hbm>>) target(%arg7 : memref<40x128xi32, #tpu.memory_space<vmem>>) target_semaphore(%arg13 : memref<!tpu.dma_semaphore, #tpu.memory_space<semaphore_mem>>)
    %broadcast_in_dim3A = arith.constant 0.000000e+00 : f32
    %broadcast_in_dim3A_16 = vector.broadcast %broadcast_in_dim3A : f32 to vector<16xf32>
    %scan3A = arith.constant 0 : i32
    %scan3A_17 = arith.constant 0 : i32
    %scan3A_18 = arith.constant 128 : i32
    %scan3A_19 = arith.addi %scan3A_17, %scan3A_18 : i32
    %scan3A_20 = arith.constant 1 : i32
    scf.for %scan3A_305 = %scan3A_17 to %scan3A_19 step %scan3A_20  : i32 {
      %swap3A = arith.constant 0 : i32
      %swap3A_306 = arith.index_cast %swap3A : i32 to index
      %swap3A_307 = arith.index_cast %scan3A_305 : i32 to index
      %swap3A_308 = arith.constant 0 : index
      %swap3A_309 = tpu.vector_load %arg8[%swap3A_306, %swap3A_307, %swap3A_308] {strides = array<i32>} : memref<2x128x128xf32, #tpu.memory_space<vmem>>, vector<1x1x16xf32>,
      %swap3A_310 = vector.shape_cast %swap3A_309 : vector<1x1x16xf32> to vector<16xf32>
      %swap3A_311 = vector.shape_cast %broadcast_in_dim3A_16 : vector<16xf32> to vector<1x1x16xf32>
      tpu.vector_store %arg8[%swap3A_306, %swap3A_307, %swap3A_308], %swap3A_311 {strides = array<i32>} : memref<2x128x128xf32, #tpu.memory_space<vmem>>, vector<1x1x16xf32>,
      %swap3A_312 = arith.constant 0 : i32
      %swap3A_313 = arith.index_cast %swap3A_312 : i32 to index
      %swap3A_314 = arith.index_cast %scan3A_305 : i32 to index
      %swap3A_315 = arith.constant 16 : index
      %swap3A_316 = tpu.vector_load %arg8[%swap3A_313, %swap3A_314, %swap3A_315] {strides = array<i32>} : memref<2x128x128xf32, #tpu.memory_space<vmem>>, vector<1x1x16xf32>,
      %swap3A_317 = vector.shape_cast %swap3A_316 : vector<1x1x16xf32> to vector<16xf32>
      %swap3A_318 = vector.shape_cast %broadcast_in_dim3A_16 : vector<16xf32> to vector<1x1x16xf32>
      tpu.vector_store %arg8[%swap3A_313, %swap3A_314, %swap3A_315], %swap3A_318 {strides = array<i32>} : memref<2x128x128xf32, #tpu.memory_space<vmem>>, vector<1x1x16xf32>,
      %swap3A_319 = arith.constant 0 : i32
      %swap3A_320 = arith.index_cast %swap3A_319 : i32 to index
      %swap3A_321 = arith.index_cast %scan3A_305 : i32 to index
      %swap3A_322 = arith.constant 32 : index
      %swap3A_323 = tpu.vector_load %arg8[%swap3A_320, %swap3A_321, %swap3A_322] {strides = array<i32>} : memref<2x128x128xf32, #tpu.memory_space<vmem>>, vector<1x1x16xf32>,
      %swap3A_324 = vector.shape_cast %swap3A_323 : vector<1x1x16xf32> to vector<16xf32>
      %swap3A_325 = vector.shape_cast %broadcast_in_dim3A_16 : vector<16xf32> to vector<1x1x16xf32>
      tpu.vector_store %arg8[%swap3A_320, %swap3A_321, %swap3A_322], %swap3A_325 {strides = array<i32>} : memref<2x128x128xf32, #tpu.memory_space<vmem>>, vector<1x1x16xf32>,
      %swap3A_326 = arith.constant 0 : i32
      %swap3A_327 = arith.index_cast %swap3A_326 : i32 to index
      %swap3A_328 = arith.index_cast %scan3A_305 : i32 to index
      %swap3A_329 = arith.constant 48 : index
      %swap3A_330 = tpu.vector_load %arg8[%swap3A_327, %swap3A_328, %swap3A_329] {strides = array<i32>} : memref<2x128x128xf32, #tpu.memory_space<vmem>>, vector<1x1x16xf32>,
      %swap3A_331 = vector.shape_cast %swap3A_330 : vector<1x1x16xf32> to vector<16xf32>
      %swap3A_332 = vector.shape_cast %broadcast_in_dim3A_16 : vector<16xf32> to vector<1x1x16xf32>
      tpu.vector_store %arg8[%swap3A_327, %swap3A_328, %swap3A_329], %swap3A_332 {strides = array<i32>} : memref<2x128x128xf32, #tpu.memory_space<vmem>>, vector<1x1x16xf32>,
      %swap3A_333 = arith.constant 0 : i32
      %swap3A_334 = arith.index_cast %swap3A_333 : i32 to index
      %swap3A_335 = arith.index_cast %scan3A_305 : i32 to index
      %swap3A_336 = arith.constant 64 : index
      %swap3A_337 = tpu.vector_load %arg8[%swap3A_334, %swap3A_335, %swap3A_336] {strides = array<i32>} : memref<2x128x128xf32, #tpu.memory_space<vmem>>, vector<1x1x16xf32>,
      %swap3A_338 = vector.shape_cast %swap3A_337 : vector<1x1x16xf32> to vector<16xf32>
      %swap3A_339 = vector.shape_cast %broadcast_in_dim3A_16 : vector<16xf32> to vector<1x1x16xf32>
      tpu.vector_store %arg8[%swap3A_334, %swap3A_335, %swap3A_336], %swap3A_339 {strides = array<i32>} : memref<2x128x128xf32, #tpu.memory_space<vmem>>, vector<1x1x16xf32>,
      %swap3A_340 = arith.constant 0 : i32
      %swap3A_341 = arith.index_cast %swap3A_340 : i32 to index
      %swap3A_342 = arith.index_cast %scan3A_305 : i32 to index
      %swap3A_343 = arith.constant 80 : index
      %swap3A_344 = tpu.vector_load %arg8[%swap3A_341, %swap3A_342, %swap3A_343] {strides = array<i32>} : memref<2x128x128xf32, #tpu.memory_space<vmem>>, vector<1x1x16xf32>,
      %swap3A_345 = vector.shape_cast %swap3A_344 : vector<1x1x16xf32> to vector<16xf32>
      %swap3A_346 = vector.shape_cast %broadcast_in_dim3A_16 : vector<16xf32> to vector<1x1x16xf32>
      tpu.vector_store %arg8[%swap3A_341, %swap3A_342, %swap3A_343], %swap3A_346 {strides = array<i32>} : memref<2x128x128xf32, #tpu.memory_space<vmem>>, vector<1x1x16xf32>,
      %swap3A_347 = arith.constant 0 : i32
      %swap3A_348 = arith.index_cast %swap3A_347 : i32 to index
      %swap3A_349 = arith.index_cast %scan3A_305 : i32 to index
      %swap3A_350 = arith.constant 96 : index
      %swap3A_351 = tpu.vector_load %arg8[%swap3A_348, %swap3A_349, %swap3A_350] {strides = array<i32>} : memref<2x128x128xf32, #tpu.memory_space<vmem>>, vector<1x1x16xf32>,
      %swap3A_352 = vector.shape_cast %swap3A_351 : vector<1x1x16xf32> to vector<16xf32>
      %swap3A_353 = vector.shape_cast %broadcast_in_dim3A_16 : vector<16xf32> to vector<1x1x16xf32>
      tpu.vector_store %arg8[%swap3A_348, %swap3A_349, %swap3A_350], %swap3A_353 {strides = array<i32>} : memref<2x128x128xf32, #tpu.memory_space<vmem>>, vector<1x1x16xf32>,
      %swap3A_354 = arith.constant 0 : i32
      %swap3A_355 = arith.index_cast %swap3A_354 : i32 to index
      %swap3A_356 = arith.index_cast %scan3A_305 : i32 to index
      %swap3A_357 = arith.constant 112 : index
      %swap3A_358 = tpu.vector_load %arg8[%swap3A_355, %swap3A_356, %swap3A_357] {strides = array<i32>} : memref<2x128x128xf32, #tpu.memory_space<vmem>>, vector<1x1x16xf32>,
      %swap3A_359 = vector.shape_cast %swap3A_358 : vector<1x1x16xf32> to vector<16xf32>
      %swap3A_360 = vector.shape_cast %broadcast_in_dim3A_16 : vector<16xf32> to vector<1x1x16xf32>
      tpu.vector_store %arg8[%swap3A_355, %swap3A_356, %swap3A_357], %swap3A_360 {strides = array<i32>} : memref<2x128x128xf32, #tpu.memory_space<vmem>>, vector<1x1x16xf32>,
    }
    %scan3A_21 = arith.constant 128 : i32
    %mul3A_22 = arith.constant 640 : i32
    %mul3A_23 = arith.muli %arg1, %mul3A_22 : i32
    %add3A_24 = arith.constant 0 : i32
    %add3A_25 = arith.addi %mul3A_23, %add3A_24 : i32
    %dma_start3A_26 = arith.constant 0 : i32
    %dma_start3A_27 = arith.constant 0 : i32
    %dma_start3A_28 = arith.constant 0 : i32
    %dma_start3A_29 = tpu.memref_slice %arg8[%dma_start3A_26, %dma_start3A_27, %dma_start3A_28] : memref<2x128x128xf32, #tpu.memory_space<vmem>> -> memref<1x128x128xf32, #tpu.memory_space<vmem>>
    %dma_start3A_30 = tpu.memref_squeeze %dma_start3A_29 : memref<1x128x128xf32, #tpu.memory_space<vmem>> -> memref<128x128xf32, #tpu.memory_space<vmem>>
    %dma_start3A_31 = arith.constant 0 : i32
    %dma_start3A_32 = tpu.memref_slice %arg9[%add3A_25, %dma_start3A_31] : memref<10240x128xf32, #tpu.memory_space<vmem_shared>> -> memref<128x128xf32, #tpu.memory_space<vmem_shared>>
    %dma_start3A_33 = arith.constant 0 : i32
    %dma_start3A_34 = tpu.memref_slice %arg9[%add3A_25, %dma_start3A_33] : memref<10240x128xf32, #tpu.memory_space<vmem_shared>> -> memref<128x128xf32, #tpu.memory_space<vmem_shared>>
    %dma_start3A_35 = arith.constant 0 : i32
    %dma_start3A_36 = arith.constant 0 : i32
    %dma_start3A_37 = tpu.memref_slice %arg8[%dma_start3A_26, %dma_start3A_35, %dma_start3A_36] : memref<2x128x128xf32, #tpu.memory_space<vmem>> -> memref<1x128x128xf32, #tpu.memory_space<vmem>>
    %dma_start3A_38 = tpu.memref_squeeze %dma_start3A_37 : memref<1x128x128xf32, #tpu.memory_space<vmem>> -> memref<128x128xf32, #tpu.memory_space<vmem>>
    tpu.enqueue_dma source(%dma_start3A_38 : memref<128x128xf32, #tpu.memory_space<vmem>>) target(%dma_start3A_34 : memref<128x128xf32, #tpu.memory_space<vmem_shared>>) target_semaphore(%arg10 : memref<!tpu.dma_semaphore, #tpu.memory_space<semaphore_mem>>)
    %add3A_39 = arith.constant 128 : i32
    %add3A_40 = arith.addi %mul3A_23, %add3A_39 : i32
    %dma_start3A_41 = arith.constant 0 : i32
    %dma_start3A_42 = arith.constant 0 : i32
    %dma_start3A_43 = arith.constant 0 : i32
    %dma_start3A_44 = tpu.memref_slice %arg8[%dma_start3A_41, %dma_start3A_42, %dma_start3A_43] : memref<2x128x128xf32, #tpu.memory_space<vmem>> -> memref<1x128x128xf32, #tpu.memory_space<vmem>>
    %dma_start3A_45 = tpu.memref_squeeze %dma_start3A_44 : memref<1x128x128xf32, #tpu.memory_space<vmem>> -> memref<128x128xf32, #tpu.memory_space<vmem>>
    %dma_start3A_46 = arith.constant 0 : i32
    %dma_start3A_47 = tpu.memref_slice %arg9[%add3A_40, %dma_start3A_46] : memref<10240x128xf32, #tpu.memory_space<vmem_shared>> -> memref<128x128xf32, #tpu.memory_space<vmem_shared>>
    %dma_start3A_48 = arith.constant 0 : i32
    %dma_start3A_49 = tpu.memref_slice %arg9[%add3A_40, %dma_start3A_48] : memref<10240x128xf32, #tpu.memory_space<vmem_shared>> -> memref<128x128xf32, #tpu.memory_space<vmem_shared>>
    %dma_start3A_50 = arith.constant 0 : i32
    %dma_start3A_51 = arith.constant 0 : i32
    %dma_start3A_52 = tpu.memref_slice %arg8[%dma_start3A_41, %dma_start3A_50, %dma_start3A_51] : memref<2x128x128xf32, #tpu.memory_space<vmem>> -> memref<1x128x128xf32, #tpu.memory_space<vmem>>
    %dma_start3A_53 = tpu.memref_squeeze %dma_start3A_52 : memref<1x128x128xf32, #tpu.memory_space<vmem>> -> memref<128x128xf32, #tpu.memory_space<vmem>>
    tpu.enqueue_dma source(%dma_start3A_53 : memref<128x128xf32, #tpu.memory_space<vmem>>) target(%dma_start3A_49 : memref<128x128xf32, #tpu.memory_space<vmem_shared>>) target_semaphore(%arg10 : memref<!tpu.dma_semaphore, #tpu.memory_space<semaphore_mem>>)
    %add3A_54 = arith.constant 256 : i32
    %add3A_55 = arith.addi %mul3A_23, %add3A_54 : i32
    %dma_start3A_56 = arith.constant 0 : i32
    %dma_start3A_57 = arith.constant 0 : i32
    %dma_start3A_58 = arith.constant 0 : i32
    %dma_start3A_59 = tpu.memref_slice %arg8[%dma_start3A_56, %dma_start3A_57, %dma_start3A_58] : memref<2x128x128xf32, #tpu.memory_space<vmem>> -> memref<1x128x128xf32, #tpu.memory_space<vmem>>
    %dma_start3A_60 = tpu.memref_squeeze %dma_start3A_59 : memref<1x128x128xf32, #tpu.memory_space<vmem>> -> memref<128x128xf32, #tpu.memory_space<vmem>>
    %dma_start3A_61 = arith.constant 0 : i32
    %dma_start3A_62 = tpu.memref_slice %arg9[%add3A_55, %dma_start3A_61] : memref<10240x128xf32, #tpu.memory_space<vmem_shared>> -> memref<128x128xf32, #tpu.memory_space<vmem_shared>>
    %dma_start3A_63 = arith.constant 0 : i32
    %dma_start3A_64 = tpu.memref_slice %arg9[%add3A_55, %dma_start3A_63] : memref<10240x128xf32, #tpu.memory_space<vmem_shared>> -> memref<128x128xf32, #tpu.memory_space<vmem_shared>>
    %dma_start3A_65 = arith.constant 0 : i32
    %dma_start3A_66 = arith.constant 0 : i32
    %dma_start3A_67 = tpu.memref_slice %arg8[%dma_start3A_56, %dma_start3A_65, %dma_start3A_66] : memref<2x128x128xf32, #tpu.memory_space<vmem>> -> memref<1x128x128xf32, #tpu.memory_space<vmem>>
    %dma_start3A_68 = tpu.memref_squeeze %dma_start3A_67 : memref<1x128x128xf32, #tpu.memory_space<vmem>> -> memref<128x128xf32, #tpu.memory_space<vmem>>
    tpu.enqueue_dma source(%dma_start3A_68 : memref<128x128xf32, #tpu.memory_space<vmem>>) target(%dma_start3A_64 : memref<128x128xf32, #tpu.memory_space<vmem_shared>>) target_semaphore(%arg10 : memref<!tpu.dma_semaphore, #tpu.memory_space<semaphore_mem>>)
    %add3A_69 = arith.constant 384 : i32
    %add3A_70 = arith.addi %mul3A_23, %add3A_69 : i32
    %dma_start3A_71 = arith.constant 0 : i32
    %dma_start3A_72 = arith.constant 0 : i32
    %dma_start3A_73 = arith.constant 0 : i32
    %dma_start3A_74 = tpu.memref_slice %arg8[%dma_start3A_71, %dma_start3A_72, %dma_start3A_73] : memref<2x128x128xf32, #tpu.memory_space<vmem>> -> memref<1x128x128xf32, #tpu.memory_space<vmem>>
    %dma_start3A_75 = tpu.memref_squeeze %dma_start3A_74 : memref<1x128x128xf32, #tpu.memory_space<vmem>> -> memref<128x128xf32, #tpu.memory_space<vmem>>
    %dma_start3A_76 = arith.constant 0 : i32
    %dma_start3A_77 = tpu.memref_slice %arg9[%add3A_70, %dma_start3A_76] : memref<10240x128xf32, #tpu.memory_space<vmem_shared>> -> memref<128x128xf32, #tpu.memory_space<vmem_shared>>
    %dma_start3A_78 = arith.constant 0 : i32
    %dma_start3A_79 = tpu.memref_slice %arg9[%add3A_70, %dma_start3A_78] : memref<10240x128xf32, #tpu.memory_space<vmem_shared>> -> memref<128x128xf32, #tpu.memory_space<vmem_shared>>
    %dma_start3A_80 = arith.constant 0 : i32
    %dma_start3A_81 = arith.constant 0 : i32
    %dma_start3A_82 = tpu.memref_slice %arg8[%dma_start3A_71, %dma_start3A_80, %dma_start3A_81] : memref<2x128x128xf32, #tpu.memory_space<vmem>> -> memref<1x128x128xf32, #tpu.memory_space<vmem>>
    %dma_start3A_83 = tpu.memref_squeeze %dma_start3A_82 : memref<1x128x128xf32, #tpu.memory_space<vmem>> -> memref<128x128xf32, #tpu.memory_space<vmem>>
    tpu.enqueue_dma source(%dma_start3A_83 : memref<128x128xf32, #tpu.memory_space<vmem>>) target(%dma_start3A_79 : memref<128x128xf32, #tpu.memory_space<vmem_shared>>) target_semaphore(%arg10 : memref<!tpu.dma_semaphore, #tpu.memory_space<semaphore_mem>>)
    %add3A_84 = arith.constant 512 : i32
    %add3A_85 = arith.addi %mul3A_23, %add3A_84 : i32
    %dma_start3A_86 = arith.constant 0 : i32
    %dma_start3A_87 = arith.constant 0 : i32
    %dma_start3A_88 = arith.constant 0 : i32
    %dma_start3A_89 = tpu.memref_slice %arg8[%dma_start3A_86, %dma_start3A_87, %dma_start3A_88] : memref<2x128x128xf32, #tpu.memory_space<vmem>> -> memref<1x128x128xf32, #tpu.memory_space<vmem>>
    %dma_start3A_90 = tpu.memref_squeeze %dma_start3A_89 : memref<1x128x128xf32, #tpu.memory_space<vmem>> -> memref<128x128xf32, #tpu.memory_space<vmem>>
    %dma_start3A_91 = arith.constant 0 : i32
    %dma_start3A_92 = tpu.memref_slice %arg9[%add3A_85, %dma_start3A_91] : memref<10240x128xf32, #tpu.memory_space<vmem_shared>> -> memref<128x128xf32, #tpu.memory_space<vmem_shared>>
    %dma_start3A_93 = arith.constant 0 : i32
    %dma_start3A_94 = tpu.memref_slice %arg9[%add3A_85, %dma_start3A_93] : memref<10240x128xf32, #tpu.memory_space<vmem_shared>> -> memref<128x128xf32, #tpu.memory_space<vmem_shared>>
    %dma_start3A_95 = arith.constant 0 : i32
    %dma_start3A_96 = arith.constant 0 : i32
    %dma_start3A_97 = tpu.memref_slice %arg8[%dma_start3A_86, %dma_start3A_95, %dma_start3A_96] : memref<2x128x128xf32, #tpu.memory_space<vmem>> -> memref<1x128x128xf32, #tpu.memory_space<vmem>>
    %dma_start3A_98 = tpu.memref_squeeze %dma_start3A_97 : memref<1x128x128xf32, #tpu.memory_space<vmem>> -> memref<128x128xf32, #tpu.memory_space<vmem>>
    tpu.enqueue_dma source(%dma_start3A_98 : memref<128x128xf32, #tpu.memory_space<vmem>>) target(%dma_start3A_94 : memref<128x128xf32, #tpu.memory_space<vmem_shared>>) target_semaphore(%arg10 : memref<!tpu.dma_semaphore, #tpu.memory_space<semaphore_mem>>)
    %add3A_99 = arith.constant 0 : i32
    %add3A_100 = arith.addi %mul3A_23, %add3A_99 : i32
    %dma_wait3A = arith.constant 0 : i32
    %dma_wait3A_101 = arith.constant 0 : i32
    %dma_wait3A_102 = arith.constant 0 : i32
    %dma_wait3A_103 = tpu.memref_slice %arg8[%dma_wait3A, %dma_wait3A_101, %dma_wait3A_102] : memref<2x128x128xf32, #tpu.memory_space<vmem>> -> memref<1x128x128xf32, #tpu.memory_space<vmem>>
    %dma_wait3A_104 = tpu.memref_squeeze %dma_wait3A_103 : memref<1x128x128xf32, #tpu.memory_space<vmem>> -> memref<128x128xf32, #tpu.memory_space<vmem>>
    %dma_wait3A_105 = arith.constant 0 : i32
    %dma_wait3A_106 = tpu.memref_slice %arg9[%add3A_100, %dma_wait3A_105] : memref<10240x128xf32, #tpu.memory_space<vmem_shared>> -> memref<128x128xf32, #tpu.memory_space<vmem_shared>>
    %dma_wait3A_107 = arith.constant 0 : i32
    %dma_wait3A_108 = tpu.memref_slice %arg9[%add3A_100, %dma_wait3A_107] : memref<10240x128xf32, #tpu.memory_space<vmem_shared>> -> memref<128x128xf32, #tpu.memory_space<vmem_shared>>
    %dma_wait3A_109 = arith.constant 0 : i32
    %dma_wait3A_110 = arith.constant 0 : i32
    %dma_wait3A_111 = tpu.memref_slice %arg8[%dma_wait3A, %dma_wait3A_109, %dma_wait3A_110] : memref<2x128x128xf32, #tpu.memory_space<vmem>> -> memref<1x128x128xf32, #tpu.memory_space<vmem>>
    %dma_wait3A_112 = tpu.memref_squeeze %dma_wait3A_111 : memref<1x128x128xf32, #tpu.memory_space<vmem>> -> memref<128x128xf32, #tpu.memory_space<vmem>>
    tpu.wait_dma2 semaphore(%arg10 : memref<!tpu.dma_semaphore, #tpu.memory_space<semaphore_mem>>) src(%dma_wait3A_112 : memref<128x128xf32, #tpu.memory_space<vmem>>) dst(%dma_wait3A_108 : memref<128x128xf32, #tpu.memory_space<vmem_shared>>)
    %add3A_113 = arith.constant 128 : i32
    %add3A_114 = arith.addi %mul3A_23, %add3A_113 : i32
    %dma_wait3A_115 = arith.constant 0 : i32
    %dma_wait3A_116 = arith.constant 0 : i32
    %dma_wait3A_117 = arith.constant 0 : i32
    %dma_wait3A_118 = tpu.memref_slice %arg8[%dma_wait3A_115, %dma_wait3A_116, %dma_wait3A_117] : memref<2x128x128xf32, #tpu.memory_space<vmem>> -> memref<1x128x128xf32, #tpu.memory_space<vmem>>
    %dma_wait3A_119 = tpu.memref_squeeze %dma_wait3A_118 : memref<1x128x128xf32, #tpu.memory_space<vmem>> -> memref<128x128xf32, #tpu.memory_space<vmem>>
    %dma_wait3A_120 = arith.constant 0 : i32
    %dma_wait3A_121 = tpu.memref_slice %arg9[%add3A_114, %dma_wait3A_120] : memref<10240x128xf32, #tpu.memory_space<vmem_shared>> -> memref<128x128xf32, #tpu.memory_space<vmem_shared>>
    %dma_wait3A_122 = arith.constant 0 : i32
    %dma_wait3A_123 = tpu.memref_slice %arg9[%add3A_114, %dma_wait3A_122] : memref<10240x128xf32, #tpu.memory_space<vmem_shared>> -> memref<128x128xf32, #tpu.memory_space<vmem_shared>>
    %dma_wait3A_124 = arith.constant 0 : i32
    %dma_wait3A_125 = arith.constant 0 : i32
    %dma_wait3A_126 = tpu.memref_slice %arg8[%dma_wait3A_115, %dma_wait3A_124, %dma_wait3A_125] : memref<2x128x128xf32, #tpu.memory_space<vmem>> -> memref<1x128x128xf32, #tpu.memory_space<vmem>>
    %dma_wait3A_127 = tpu.memref_squeeze %dma_wait3A_126 : memref<1x128x128xf32, #tpu.memory_space<vmem>> -> memref<128x128xf32, #tpu.memory_space<vmem>>
    tpu.wait_dma2 semaphore(%arg10 : memref<!tpu.dma_semaphore, #tpu.memory_space<semaphore_mem>>) src(%dma_wait3A_127 : memref<128x128xf32, #tpu.memory_space<vmem>>) dst(%dma_wait3A_123 : memref<128x128xf32, #tpu.memory_space<vmem_shared>>)
    %add3A_128 = arith.constant 256 : i32
    %add3A_129 = arith.addi %mul3A_23, %add3A_128 : i32
    %dma_wait3A_130 = arith.constant 0 : i32
    %dma_wait3A_131 = arith.constant 0 : i32
    %dma_wait3A_132 = arith.constant 0 : i32
    %dma_wait3A_133 = tpu.memref_slice %arg8[%dma_wait3A_130, %dma_wait3A_131, %dma_wait3A_132] : memref<2x128x128xf32, #tpu.memory_space<vmem>> -> memref<1x128x128xf32, #tpu.memory_space<vmem>>
    %dma_wait3A_134 = tpu.memref_squeeze %dma_wait3A_133 : memref<1x128x128xf32, #tpu.memory_space<vmem>> -> memref<128x128xf32, #tpu.memory_space<vmem>>
    %dma_wait3A_135 = arith.constant 0 : i32
    %dma_wait3A_136 = tpu.memref_slice %arg9[%add3A_129, %dma_wait3A_135] : memref<10240x128xf32, #tpu.memory_space<vmem_shared>> -> memref<128x128xf32, #tpu.memory_space<vmem_shared>>
    %dma_wait3A_137 = arith.constant 0 : i32
    %dma_wait3A_138 = tpu.memref_slice %arg9[%add3A_129, %dma_wait3A_137] : memref<10240x128xf32, #tpu.memory_space<vmem_shared>> -> memref<128x128xf32, #tpu.memory_space<vmem_shared>>
    %dma_wait3A_139 = arith.constant 0 : i32
    %dma_wait3A_140 = arith.constant 0 : i32
    %dma_wait3A_141 = tpu.memref_slice %arg8[%dma_wait3A_130, %dma_wait3A_139, %dma_wait3A_140] : memref<2x128x128xf32, #tpu.memory_space<vmem>> -> memref<1x128x128xf32, #tpu.memory_space<vmem>>
    %dma_wait3A_142 = tpu.memref_squeeze %dma_wait3A_141 : memref<1x128x128xf32, #tpu.memory_space<vmem>> -> memref<128x128xf32, #tpu.memory_space<vmem>>
    tpu.wait_dma2 semaphore(%arg10 : memref<!tpu.dma_semaphore, #tpu.memory_space<semaphore_mem>>) src(%dma_wait3A_142 : memref<128x128xf32, #tpu.memory_space<vmem>>) dst(%dma_wait3A_138 : memref<128x128xf32, #tpu.memory_space<vmem_shared>>)
    %add3A_143 = arith.constant 384 : i32
    %add3A_144 = arith.addi %mul3A_23, %add3A_143 : i32
    %dma_wait3A_145 = arith.constant 0 : i32
    %dma_wait3A_146 = arith.constant 0 : i32
    %dma_wait3A_147 = arith.constant 0 : i32
    %dma_wait3A_148 = tpu.memref_slice %arg8[%dma_wait3A_145, %dma_wait3A_146, %dma_wait3A_147] : memref<2x128x128xf32, #tpu.memory_space<vmem>> -> memref<1x128x128xf32, #tpu.memory_space<vmem>>
    %dma_wait3A_149 = tpu.memref_squeeze %dma_wait3A_148 : memref<1x128x128xf32, #tpu.memory_space<vmem>> -> memref<128x128xf32, #tpu.memory_space<vmem>>
    %dma_wait3A_150 = arith.constant 0 : i32
    %dma_wait3A_151 = tpu.memref_slice %arg9[%add3A_144, %dma_wait3A_150] : memref<10240x128xf32, #tpu.memory_space<vmem_shared>> -> memref<128x128xf32, #tpu.memory_space<vmem_shared>>
    %dma_wait3A_152 = arith.constant 0 : i32
    %dma_wait3A_153 = tpu.memref_slice %arg9[%add3A_144, %dma_wait3A_152] : memref<10240x128xf32, #tpu.memory_space<vmem_shared>> -> memref<128x128xf32, #tpu.memory_space<vmem_shared>>
    %dma_wait3A_154 = arith.constant 0 : i32
    %dma_wait3A_155 = arith.constant 0 : i32
    %dma_wait3A_156 = tpu.memref_slice %arg8[%dma_wait3A_145, %dma_wait3A_154, %dma_wait3A_155] : memref<2x128x128xf32, #tpu.memory_space<vmem>> -> memref<1x128x128xf32, #tpu.memory_space<vmem>>
    %dma_wait3A_157 = tpu.memref_squeeze %dma_wait3A_156 : memref<1x128x128xf32, #tpu.memory_space<vmem>> -> memref<128x128xf32, #tpu.memory_space<vmem>>
    tpu.wait_dma2 semaphore(%arg10 : memref<!tpu.dma_semaphore, #tpu.memory_space<semaphore_mem>>) src(%dma_wait3A_157 : memref<128x128xf32, #tpu.memory_space<vmem>>) dst(%dma_wait3A_153 : memref<128x128xf32, #tpu.memory_space<vmem_shared>>)
    %add3A_158 = arith.constant 512 : i32
    %add3A_159 = arith.addi %mul3A_23, %add3A_158 : i32
    %dma_wait3A_160 = arith.constant 0 : i32
    %dma_wait3A_161 = arith.constant 0 : i32
    %dma_wait3A_162 = arith.constant 0 : i32
    %dma_wait3A_163 = tpu.memref_slice %arg8[%dma_wait3A_160, %dma_wait3A_161, %dma_wait3A_162] : memref<2x128x128xf32, #tpu.memory_space<vmem>> -> memref<1x128x128xf32, #tpu.memory_space<vmem>>
    %dma_wait3A_164 = tpu.memref_squeeze %dma_wait3A_163 : memref<1x128x128xf32, #tpu.memory_space<vmem>> -> memref<128x128xf32, #tpu.memory_space<vmem>>
    %dma_wait3A_165 = arith.constant 0 : i32
    %dma_wait3A_166 = tpu.memref_slice %arg9[%add3A_159, %dma_wait3A_165] : memref<10240x128xf32, #tpu.memory_space<vmem_shared>> -> memref<128x128xf32, #tpu.memory_space<vmem_shared>>
    %dma_wait3A_167 = arith.constant 0 : i32
    %dma_wait3A_168 = tpu.memref_slice %arg9[%add3A_159, %dma_wait3A_167] : memref<10240x128xf32, #tpu.memory_space<vmem_shared>> -> memref<128x128xf32, #tpu.memory_space<vmem_shared>>
    %dma_wait3A_169 = arith.constant 0 : i32
    %dma_wait3A_170 = arith.constant 0 : i32
    %dma_wait3A_171 = tpu.memref_slice %arg8[%dma_wait3A_160, %dma_wait3A_169, %dma_wait3A_170] : memref<2x128x128xf32, #tpu.memory_space<vmem>> -> memref<1x128x128xf32, #tpu.memory_space<vmem>>
    %dma_wait3A_172 = tpu.memref_squeeze %dma_wait3A_171 : memref<1x128x128xf32, #tpu.memory_space<vmem>> -> memref<128x128xf32, #tpu.memory_space<vmem>>
    tpu.wait_dma2 semaphore(%arg10 : memref<!tpu.dma_semaphore, #tpu.memory_space<semaphore_mem>>) src(%dma_wait3A_172 : memref<128x128xf32, #tpu.memory_space<vmem>>) dst(%dma_wait3A_168 : memref<128x128xf32, #tpu.memory_space<vmem_shared>>)
    %dma_wait3A_173 = arith.constant 0 : i32
    %dma_wait3A_174 = arith.constant 0 : i32
    %dma_wait3A_175 = tpu.memref_slice %arg2[%add3A, %dma_wait3A_173, %dma_wait3A_174] : memref<32x80x128xi32, #tpu.memory_space<hbm>> -> memref<1x40x128xi32, #tpu.memory_space<hbm>>
    %dma_wait3A_176 = tpu.memref_squeeze %dma_wait3A_175 : memref<1x40x128xi32, #tpu.memory_space<hbm>> -> memref<40x128xi32, #tpu.memory_space<hbm>>
    %dma_wait3A_177 = arith.constant 0 : i32
    %dma_wait3A_178 = arith.constant 0 : i32
    %dma_wait3A_179 = tpu.memref_slice %arg2[%add3A, %dma_wait3A_177, %dma_wait3A_178] : memref<32x80x128xi32, #tpu.memory_space<hbm>> -> memref<1x40x128xi32, #tpu.memory_space<hbm>>
    %dma_wait3A_180 = tpu.memref_squeeze %dma_wait3A_179 : memref<1x40x128xi32, #tpu.memory_space<hbm>> -> memref<40x128xi32, #tpu.memory_space<hbm>>
    tpu.wait_dma2 semaphore(%arg12 : memref<!tpu.dma_semaphore, #tpu.memory_space<semaphore_mem>>) src(%dma_wait3A_180 : memref<40x128xi32, #tpu.memory_space<hbm>>) dst(%arg6 : memref<40x128xi32, #tpu.memory_space<vmem>>)
    %dma_wait3A_181 = arith.constant 0 : i32
    %dma_wait3A_182 = arith.constant 0 : i32
    %dma_wait3A_183 = tpu.memref_slice %arg3[%add3A, %dma_wait3A_181, %dma_wait3A_182] : memref<32x80x128xi32, #tpu.memory_space<hbm>> -> memref<1x40x128xi32, #tpu.memory_space<hbm>>
    %dma_wait3A_184 = tpu.memref_squeeze %dma_wait3A_183 : memref<1x40x128xi32, #tpu.memory_space<hbm>> -> memref<40x128xi32, #tpu.memory_space<hbm>>
    %dma_wait3A_185 = arith.constant 0 : i32
    %dma_wait3A_186 = arith.constant 0 : i32
    %dma_wait3A_187 = tpu.memref_slice %arg3[%add3A, %dma_wait3A_185, %dma_wait3A_186] : memref<32x80x128xi32, #tpu.memory_space<hbm>> -> memref<1x40x128xi32, #tpu.memory_space<hbm>>
    %dma_wait3A_188 = tpu.memref_squeeze %dma_wait3A_187 : memref<1x40x128xi32, #tpu.memory_space<hbm>> -> memref<40x128xi32, #tpu.memory_space<hbm>>
    tpu.wait_dma2 semaphore(%arg13 : memref<!tpu.dma_semaphore, #tpu.memory_space<semaphore_mem>>) src(%dma_wait3A_188 : memref<40x128xi32, #tpu.memory_space<hbm>>) dst(%arg7 : memref<40x128xi32, #tpu.memory_space<vmem>>)
    %barrier3A = arith.constant 0 : index
    tpu.barrier barrier_id(%barrier3A)
    %dma_start3A_189 = arith.constant 0 : i32
    %dma_start3A_190 = arith.constant 0 : i32
    %dma_start3A_191 = arith.constant 0 : i32
    %dma_start3A_192 = arith.constant 0 : i32
    %dma_start3A_193 = tpu.memref_slice %arg8[%dma_start3A_190, %dma_start3A_191, %dma_start3A_192] : memref<2x128x128xf32, #tpu.memory_space<vmem>> -> memref<1x128x128xf32, #tpu.memory_space<vmem>>
    %dma_start3A_194 = tpu.memref_squeeze %dma_start3A_193 : memref<1x128x128xf32, #tpu.memory_space<vmem>> -> memref<128x128xf32, #tpu.memory_space<vmem>>
    %dma_start3A_195 = arith.constant 0 : i32
    %dma_start3A_196 = tpu.memref_slice %arg6[%dma_start3A_189, %dma_start3A_195] : memref<40x128xi32, #tpu.memory_space<vmem>> -> memref<1x128xi32, #tpu.memory_space<vmem>>
    %dma_start3A_197 = tpu.memref_squeeze %dma_start3A_196 : memref<1x128xi32, #tpu.memory_space<vmem>> -> memref<128xi32, #tpu.memory_space<vmem>>
    %dma_start3A_198 = arith.constant 0 : i32
    %dma_start3A_199 = arith.constant 0 : i32
    %dma_start3A_200 = tpu.memref_slice %arg4[%dma_start3A_198, %dma_start3A_199] : memref<10000x128xf32, #tpu.memory_space<hbm>> -> memref<10000x128xf32, #tpu.memory_space<hbm>>
    tpu.enqueue_indirect_dma source(%dma_start3A_200 : memref<10000x128xf32, #tpu.memory_space<hbm>>) target(%dma_start3A_194 : memref<128x128xf32, #tpu.memory_space<vmem>>) offsets(%dma_start3A_197 : memref<128xi32, #tpu.memory_space<vmem>>) semaphore(%arg10 : memref<!tpu.dma_semaphore, #tpu.memory_space<semaphore_mem>>)
    %scan3A_201 = arith.constant 0 : i32
    %scan3A_202 = arith.constant 0 : i32
    %scan3A_203 = arith.constant 19 : i32
    %scan3A_204 = arith.addi %scan3A_202, %scan3A_203 : i32
    %scan3A_205 = arith.constant 1 : i32
    scf.for %scan3A_305 = %scan3A_202 to %scan3A_204 step %scan3A_205  : i32 {
      %mul3A_306 = arith.constant 2 : i32
      %mul3A_307 = arith.muli %mul3A_306, %scan3A_305 : i32
      %add3A_308 = arith.constant 1 : i32
      %add3A_309 = arith.addi %mul3A_307, %add3A_308 : i32
      %dma_start3A_310 = arith.constant 1 : i32
      %dma_start3A_311 = arith.constant 0 : i32
      %dma_start3A_312 = arith.constant 0 : i32
      %dma_start3A_313 = tpu.memref_slice %arg8[%dma_start3A_310, %dma_start3A_311, %dma_start3A_312] : memref<2x128x128xf32, #tpu.memory_space<vmem>> -> memref<1x128x128xf32, #tpu.memory_space<vmem>>
      %dma_start3A_314 = tpu.memref_squeeze %dma_start3A_313 : memref<1x128x128xf32, #tpu.memory_space<vmem>> -> memref<128x128xf32, #tpu.memory_space<vmem>>
      %dma_start3A_315 = arith.constant 0 : i32
      %dma_start3A_316 = tpu.memref_slice %arg6[%add3A_309, %dma_start3A_315] : memref<40x128xi32, #tpu.memory_space<vmem>> -> memref<1x128xi32, #tpu.memory_space<vmem>>
      %dma_start3A_317 = tpu.memref_squeeze %dma_start3A_316 : memref<1x128xi32, #tpu.memory_space<vmem>> -> memref<128xi32, #tpu.memory_space<vmem>>
      %dma_start3A_318 = arith.constant 0 : i32
      %dma_start3A_319 = arith.constant 0 : i32
      %dma_start3A_320 = tpu.memref_slice %arg4[%dma_start3A_318, %dma_start3A_319] : memref<10000x128xf32, #tpu.memory_space<hbm>> -> memref<10000x128xf32, #tpu.memory_space<hbm>>
      tpu.enqueue_indirect_dma source(%dma_start3A_320 : memref<10000x128xf32, #tpu.memory_space<hbm>>) target(%dma_start3A_314 : memref<128x128xf32, #tpu.memory_space<vmem>>) offsets(%dma_start3A_317 : memref<128xi32, #tpu.memory_space<vmem>>) semaphore(%arg11 : memref<!tpu.dma_semaphore, #tpu.memory_space<semaphore_mem>>)
      %dma_wait3A_321 = arith.constant 0 : i32
      %dma_wait3A_322 = arith.constant 0 : i32
      %dma_wait3A_323 = arith.constant 0 : i32
      %dma_wait3A_324 = tpu.memref_slice %arg8[%dma_wait3A_321, %dma_wait3A_322, %dma_wait3A_323] : memref<2x128x128xf32, #tpu.memory_space<vmem>> -> memref<1x128x128xf32, #tpu.memory_space<vmem>>
      %dma_wait3A_325 = tpu.memref_squeeze %dma_wait3A_324 : memref<1x128x128xf32, #tpu.memory_space<vmem>> -> memref<128x128xf32, #tpu.memory_space<vmem>>
      %dma_wait3A_326 = arith.constant 0 : i32
      %dma_wait3A_327 = tpu.memref_slice %arg6[%mul3A_307, %dma_wait3A_326] : memref<40x128xi32, #tpu.memory_space<vmem>> -> memref<1x128xi32, #tpu.memory_space<vmem>>
      %dma_wait3A_328 = tpu.memref_squeeze %dma_wait3A_327 : memref<1x128xi32, #tpu.memory_space<vmem>> -> memref<128xi32, #tpu.memory_space<vmem>>
      %dma_wait3A_329 = arith.constant 0 : i32
      %dma_wait3A_330 = arith.constant 0 : i32
      %dma_wait3A_331 = tpu.memref_slice %arg4[%dma_wait3A_329, %dma_wait3A_330] : memref<10000x128xf32, #tpu.memory_space<hbm>> -> memref<10000x128xf32, #tpu.memory_space<hbm>>
      tpu.wait_indirect_dma semaphore(%arg10 : memref<!tpu.dma_semaphore, #tpu.memory_space<semaphore_mem>>) src(%dma_wait3A_331 : memref<10000x128xf32, #tpu.memory_space<hbm>>) dst(%dma_wait3A_325 : memref<128x128xf32, #tpu.memory_space<vmem>>)
      %run_scoped3A_332 = arith.constant 0 : i32
      "tpu.region"() ({
        %run_scoped3A_362 = tpu.sem_alloc : memref<!tpu.dma_semaphore, #tpu.memory_space<semaphore_mem>>
        %dma_start3A_363 = arith.constant 0 : i32
        %dma_start3A_364 = arith.constant 0 : i32
        %dma_start3A_365 = tpu.memref_slice %arg8[%run_scoped3A_332, %dma_start3A_363, %dma_start3A_364] : memref<2x128x128xf32, #tpu.memory_space<vmem>> -> memref<1x128x128xf32, #tpu.memory_space<vmem>>
        %dma_start3A_366 = tpu.memref_squeeze %dma_start3A_365 : memref<1x128x128xf32, #tpu.memory_space<vmem>> -> memref<128x128xf32, #tpu.memory_space<vmem>>
        %dma_start3A_367 = arith.constant 0 : i32
        %dma_start3A_368 = tpu.memref_slice %arg7[%mul3A_307, %dma_start3A_367] : memref<40x128xi32, #tpu.memory_space<vmem>> -> memref<1x128xi32, #tpu.memory_space<vmem>>
        %dma_start3A_369 = tpu.memref_squeeze %dma_start3A_368 : memref<1x128xi32, #tpu.memory_space<vmem>> -> memref<128xi32, #tpu.memory_space<vmem>>
        %dma_start3A_370 = arith.constant 0 : i32
        %dma_start3A_371 = arith.constant 0 : i32
        %dma_start3A_372 = tpu.memref_slice %arg9[%dma_start3A_370, %dma_start3A_371] : memref<10240x128xf32, #tpu.memory_space<vmem_shared>> -> memref<10240x128xf32, #tpu.memory_space<vmem_shared>>
        tpu.enqueue_indirect_dma source(%dma_start3A_366 : memref<128x128xf32, #tpu.memory_space<vmem>>) target(%dma_start3A_372 : memref<10240x128xf32, #tpu.memory_space<vmem_shared>>) offsets(%dma_start3A_369 : memref<128xi32, #tpu.memory_space<vmem>>) semaphore(%run_scoped3A_362 : memref<!tpu.dma_semaphore, #tpu.memory_space<semaphore_mem>>) {add = true}
        %dma_wait3A_373 = arith.constant 0 : i32
        %dma_wait3A_374 = arith.constant 0 : i32
        %dma_wait3A_375 = tpu.memref_slice %arg8[%run_scoped3A_332, %dma_wait3A_373, %dma_wait3A_374] : memref<2x128x128xf32, #tpu.memory_space<vmem>> -> memref<1x128x128xf32, #tpu.memory_space<vmem>>
        %dma_wait3A_376 = tpu.memref_squeeze %dma_wait3A_375 : memref<1x128x128xf32, #tpu.memory_space<vmem>> -> memref<128x128xf32, #tpu.memory_space<vmem>>
        %dma_wait3A_377 = arith.constant 0 : i32
        %dma_wait3A_378 = tpu.memref_slice %arg7[%mul3A_307, %dma_wait3A_377] : memref<40x128xi32, #tpu.memory_space<vmem>> -> memref<1x128xi32, #tpu.memory_space<vmem>>
        %dma_wait3A_379 = tpu.memref_squeeze %dma_wait3A_378 : memref<1x128xi32, #tpu.memory_space<vmem>> -> memref<128xi32, #tpu.memory_space<vmem>>
        %dma_wait3A_380 = arith.constant 0 : i32
        %dma_wait3A_381 = arith.constant 0 : i32
        %dma_wait3A_382 = tpu.memref_slice %arg9[%dma_wait3A_380, %dma_wait3A_381] : memref<10240x128xf32, #tpu.memory_space<vmem_shared>> -> memref<10240x128xf32, #tpu.memory_space<vmem_shared>>
        tpu.wait_indirect_dma semaphore(%run_scoped3A_362 : memref<!tpu.dma_semaphore, #tpu.memory_space<semaphore_mem>>) src(%dma_wait3A_376 : memref<128x128xf32, #tpu.memory_space<vmem>>) dst(%dma_wait3A_382 : memref<10240x128xf32, #tpu.memory_space<vmem_shared>>)
        tpu.yield
      }) : () -> ()
      %add3A_333 = arith.constant 2 : i32
      %add3A_334 = arith.addi %mul3A_307, %add3A_333 : i32
      %dma_start3A_335 = arith.constant 0 : i32
      %dma_start3A_336 = arith.constant 0 : i32
      %dma_start3A_337 = arith.constant 0 : i32
      %dma_start3A_338 = tpu.memref_slice %arg8[%dma_start3A_335, %dma_start3A_336, %dma_start3A_337] : memref<2x128x128xf32, #tpu.memory_space<vmem>> -> memref<1x128x128xf32, #tpu.memory_space<vmem>>
      %dma_start3A_339 = tpu.memref_squeeze %dma_start3A_338 : memref<1x128x128xf32, #tpu.memory_space<vmem>> -> memref<128x128xf32, #tpu.memory_space<vmem>>
      %dma_start3A_340 = arith.constant 0 : i32
      %dma_start3A_341 = tpu.memref_slice %arg6[%add3A_334, %dma_start3A_340] : memref<40x128xi32, #tpu.memory_space<vmem>> -> memref<1x128xi32, #tpu.memory_space<vmem>>
      %dma_start3A_342 = tpu.memref_squeeze %dma_start3A_341 : memref<1x128xi32, #tpu.memory_space<vmem>> -> memref<128xi32, #tpu.memory_space<vmem>>
      %dma_start3A_343 = arith.constant 0 : i32
      %dma_start3A_344 = arith.constant 0 : i32
      %dma_start3A_345 = tpu.memref_slice %arg4[%dma_start3A_343, %dma_start3A_344] : memref<10000x128xf32, #tpu.memory_space<hbm>> -> memref<10000x128xf32, #tpu.memory_space<hbm>>
      tpu.enqueue_indirect_dma source(%dma_start3A_345 : memref<10000x128xf32, #tpu.memory_space<hbm>>) target(%dma_start3A_339 : memref<128x128xf32, #tpu.memory_space<vmem>>) offsets(%dma_start3A_342 : memref<128xi32, #tpu.memory_space<vmem>>) semaphore(%arg10 : memref<!tpu.dma_semaphore, #tpu.memory_space<semaphore_mem>>)
      %add3A_346 = arith.constant 1 : i32
      %add3A_347 = arith.addi %mul3A_307, %add3A_346 : i32
      %dma_wait3A_348 = arith.constant 1 : i32
      %dma_wait3A_349 = arith.constant 0 : i32
      %dma_wait3A_350 = arith.constant 0 : i32
      %dma_wait3A_351 = tpu.memref_slice %arg8[%dma_wait3A_348, %dma_wait3A_349, %dma_wait3A_350] : memref<2x128x128xf32, #tpu.memory_space<vmem>> -> memref<1x128x128xf32, #tpu.memory_space<vmem>>
      %dma_wait3A_352 = tpu.memref_squeeze %dma_wait3A_351 : memref<1x128x128xf32, #tpu.memory_space<vmem>> -> memref<128x128xf32, #tpu.memory_space<vmem>>
      %dma_wait3A_353 = arith.constant 0 : i32
      %dma_wait3A_354 = tpu.memref_slice %arg6[%add3A_347, %dma_wait3A_353] : memref<40x128xi32, #tpu.memory_space<vmem>> -> memref<1x128xi32, #tpu.memory_space<vmem>>
      %dma_wait3A_355 = tpu.memref_squeeze %dma_wait3A_354 : memref<1x128xi32, #tpu.memory_space<vmem>> -> memref<128xi32, #tpu.memory_space<vmem>>
      %dma_wait3A_356 = arith.constant 0 : i32
      %dma_wait3A_357 = arith.constant 0 : i32
      %dma_wait3A_358 = tpu.memref_slice %arg4[%dma_wait3A_356, %dma_wait3A_357] : memref<10000x128xf32, #tpu.memory_space<hbm>> -> memref<10000x128xf32, #tpu.memory_space<hbm>>
      tpu.wait_indirect_dma semaphore(%arg11 : memref<!tpu.dma_semaphore, #tpu.memory_space<semaphore_mem>>) src(%dma_wait3A_358 : memref<10000x128xf32, #tpu.memory_space<hbm>>) dst(%dma_wait3A_352 : memref<128x128xf32, #tpu.memory_space<vmem>>)
      %add3A_359 = arith.constant 1 : i32
      %add3A_360 = arith.addi %mul3A_307, %add3A_359 : i32
      %run_scoped3A_361 = arith.constant 1 : i32
      "tpu.region"() ({
        %run_scoped3A_362 = tpu.sem_alloc : memref<!tpu.dma_semaphore, #tpu.memory_space<semaphore_mem>>
        %dma_start3A_363 = arith.constant 0 : i32
        %dma_start3A_364 = arith.constant 0 : i32
        %dma_start3A_365 = tpu.memref_slice %arg8[%run_scoped3A_361, %dma_start3A_363, %dma_start3A_364] : memref<2x128x128xf32, #tpu.memory_space<vmem>> -> memref<1x128x128xf32, #tpu.memory_space<vmem>>
        %dma_start3A_366 = tpu.memref_squeeze %dma_start3A_365 : memref<1x128x128xf32, #tpu.memory_space<vmem>> -> memref<128x128xf32, #tpu.memory_space<vmem>>
        %dma_start3A_367 = arith.constant 0 : i32
        %dma_start3A_368 = tpu.memref_slice %arg7[%add3A_360, %dma_start3A_367] : memref<40x128xi32, #tpu.memory_space<vmem>> -> memref<1x128xi32, #tpu.memory_space<vmem>>
        %dma_start3A_369 = tpu.memref_squeeze %dma_start3A_368 : memref<1x128xi32, #tpu.memory_space<vmem>> -> memref<128xi32, #tpu.memory_space<vmem>>
        %dma_start3A_370 = arith.constant 0 : i32
        %dma_start3A_371 = arith.constant 0 : i32
        %dma_start3A_372 = tpu.memref_slice %arg9[%dma_start3A_370, %dma_start3A_371] : memref<10240x128xf32, #tpu.memory_space<vmem_shared>> -> memref<10240x128xf32, #tpu.memory_space<vmem_shared>>
        tpu.enqueue_indirect_dma source(%dma_start3A_366 : memref<128x128xf32, #tpu.memory_space<vmem>>) target(%dma_start3A_372 : memref<10240x128xf32, #tpu.memory_space<vmem_shared>>) offsets(%dma_start3A_369 : memref<128xi32, #tpu.memory_space<vmem>>) semaphore(%run_scoped3A_362 : memref<!tpu.dma_semaphore, #tpu.memory_space<semaphore_mem>>) {add = true}
        %dma_wait3A_373 = arith.constant 0 : i32
        %dma_wait3A_374 = arith.constant 0 : i32
        %dma_wait3A_375 = tpu.memref_slice %arg8[%run_scoped3A_361, %dma_wait3A_373, %dma_wait3A_374] : memref<2x128x128xf32, #tpu.memory_space<vmem>> -> memref<1x128x128xf32, #tpu.memory_space<vmem>>
        %dma_wait3A_376 = tpu.memref_squeeze %dma_wait3A_375 : memref<1x128x128xf32, #tpu.memory_space<vmem>> -> memref<128x128xf32, #tpu.memory_space<vmem>>
        %dma_wait3A_377 = arith.constant 0 : i32
        %dma_wait3A_378 = tpu.memref_slice %arg7[%add3A_360, %dma_wait3A_377] : memref<40x128xi32, #tpu.memory_space<vmem>> -> memref<1x128xi32, #tpu.memory_space<vmem>>
        %dma_wait3A_379 = tpu.memref_squeeze %dma_wait3A_378 : memref<1x128xi32, #tpu.memory_space<vmem>> -> memref<128xi32, #tpu.memory_space<vmem>>
        %dma_wait3A_380 = arith.constant 0 : i32
        %dma_wait3A_381 = arith.constant 0 : i32
        %dma_wait3A_382 = tpu.memref_slice %arg9[%dma_wait3A_380, %dma_wait3A_381] : memref<10240x128xf32, #tpu.memory_space<vmem_shared>> -> memref<10240x128xf32, #tpu.memory_space<vmem_shared>>
        tpu.wait_indirect_dma semaphore(%run_scoped3A_362 : memref<!tpu.dma_semaphore, #tpu.memory_space<semaphore_mem>>) src(%dma_wait3A_376 : memref<128x128xf32, #tpu.memory_space<vmem>>) dst(%dma_wait3A_382 : memref<10240x128xf32, #tpu.memory_space<vmem_shared>>)
        tpu.yield
      }) : () -> ()
    }
    %scan3A_206 = arith.constant 19 : i32
    %dma_start3A_207 = arith.constant 39 : i32
    %dma_start3A_208 = arith.constant 1 : i32
    %dma_start3A_209 = arith.constant 0 : i32
    %dma_start3A_210 = arith.constant 0 : i32
    %dma_start3A_211 = tpu.memref_slice %arg8[%dma_start3A_208, %dma_start3A_209, %dma_start3A_210] : memref<2x128x128xf32, #tpu.memory_space<vmem>> -> memref<1x128x128xf32, #tpu.memory_space<vmem>>
    %dma_start3A_212 = tpu.memref_squeeze %dma_start3A_211 : memref<1x128x128xf32, #tpu.memory_space<vmem>> -> memref<128x128xf32, #tpu.memory_space<vmem>>
    %dma_start3A_213 = arith.constant 0 : i32
    %dma_start3A_214 = tpu.memref_slice %arg6[%dma_start3A_207, %dma_start3A_213] : memref<40x128xi32, #tpu.memory_space<vmem>> -> memref<1x128xi32, #tpu.memory_space<vmem>>
    %dma_start3A_215 = tpu.memref_squeeze %dma_start3A_214 : memref<1x128xi32, #tpu.memory_space<vmem>> -> memref<128xi32, #tpu.memory_space<vmem>>
    %dma_start3A_216 = arith.constant 0 : i32
    %dma_start3A_217 = arith.constant 0 : i32
    %dma_start3A_218 = tpu.memref_slice %arg4[%dma_start3A_216, %dma_start3A_217] : memref<10000x128xf32, #tpu.memory_space<hbm>> -> memref<10000x128xf32, #tpu.memory_space<hbm>>
    tpu.enqueue_indirect_dma source(%dma_start3A_218 : memref<10000x128xf32, #tpu.memory_space<hbm>>) target(%dma_start3A_212 : memref<128x128xf32, #tpu.memory_space<vmem>>) offsets(%dma_start3A_215 : memref<128xi32, #tpu.memory_space<vmem>>) semaphore(%arg11 : memref<!tpu.dma_semaphore, #tpu.memory_space<semaphore_mem>>)
    %dma_wait3A_219 = arith.constant 38 : i32
    %dma_wait3A_220 = arith.constant 0 : i32
    %dma_wait3A_221 = arith.constant 0 : i32
    %dma_wait3A_222 = arith.constant 0 : i32
    %dma_wait3A_223 = tpu.memref_slice %arg8[%dma_wait3A_220, %dma_wait3A_221, %dma_wait3A_222] : memref<2x128x128xf32, #tpu.memory_space<vmem>> -> memref<1x128x128xf32, #tpu.memory_space<vmem>>
    %dma_wait3A_224 = tpu.memref_squeeze %dma_wait3A_223 : memref<1x128x128xf32, #tpu.memory_space<vmem>> -> memref<128x128xf32, #tpu.memory_space<vmem>>
    %dma_wait3A_225 = arith.constant 0 : i32
    %dma_wait3A_226 = tpu.memref_slice %arg6[%dma_wait3A_219, %dma_wait3A_225] : memref<40x128xi32, #tpu.memory_space<vmem>> -> memref<1x128xi32, #tpu.memory_space<vmem>>
    %dma_wait3A_227 = tpu.memref_squeeze %dma_wait3A_226 : memref<1x128xi32, #tpu.memory_space<vmem>> -> memref<128xi32, #tpu.memory_space<vmem>>
    %dma_wait3A_228 = arith.constant 0 : i32
    %dma_wait3A_229 = arith.constant 0 : i32
    %dma_wait3A_230 = tpu.memref_slice %arg4[%dma_wait3A_228, %dma_wait3A_229] : memref<10000x128xf32, #tpu.memory_space<hbm>> -> memref<10000x128xf32, #tpu.memory_space<hbm>>
    tpu.wait_indirect_dma semaphore(%arg10 : memref<!tpu.dma_semaphore, #tpu.memory_space<semaphore_mem>>) src(%dma_wait3A_230 : memref<10000x128xf32, #tpu.memory_space<hbm>>) dst(%dma_wait3A_224 : memref<128x128xf32, #tpu.memory_space<vmem>>)
    %run_scoped3A = arith.constant 0 : i32
    %run_scoped3A_231 = arith.constant 38 : i32
    "tpu.region"() ({
      %run_scoped3A_305 = tpu.sem_alloc : memref<!tpu.dma_semaphore, #tpu.memory_space<semaphore_mem>>
      %dma_start3A_306 = arith.constant 0 : i32
      %dma_start3A_307 = arith.constant 0 : i32
      %dma_start3A_308 = tpu.memref_slice %arg8[%run_scoped3A, %dma_start3A_306, %dma_start3A_307] : memref<2x128x128xf32, #tpu.memory_space<vmem>> -> memref<1x128x128xf32, #tpu.memory_space<vmem>>
      %dma_start3A_309 = tpu.memref_squeeze %dma_start3A_308 : memref<1x128x128xf32, #tpu.memory_space<vmem>> -> memref<128x128xf32, #tpu.memory_space<vmem>>
      %dma_start3A_310 = arith.constant 0 : i32
      %dma_start3A_311 = tpu.memref_slice %arg7[%run_scoped3A_231, %dma_start3A_310] : memref<40x128xi32, #tpu.memory_space<vmem>> -> memref<1x128xi32, #tpu.memory_space<vmem>>
      %dma_start3A_312 = tpu.memref_squeeze %dma_start3A_311 : memref<1x128xi32, #tpu.memory_space<vmem>> -> memref<128xi32, #tpu.memory_space<vmem>>
      %dma_start3A_313 = arith.constant 0 : i32
      %dma_start3A_314 = arith.constant 0 : i32
      %dma_start3A_315 = tpu.memref_slice %arg9[%dma_start3A_313, %dma_start3A_314] : memref<10240x128xf32, #tpu.memory_space<vmem_shared>> -> memref<10240x128xf32, #tpu.memory_space<vmem_shared>>
      tpu.enqueue_indirect_dma source(%dma_start3A_309 : memref<128x128xf32, #tpu.memory_space<vmem>>) target(%dma_start3A_315 : memref<10240x128xf32, #tpu.memory_space<vmem_shared>>) offsets(%dma_start3A_312 : memref<128xi32, #tpu.memory_space<vmem>>) semaphore(%run_scoped3A_305 : memref<!tpu.dma_semaphore, #tpu.memory_space<semaphore_mem>>) {add = true}
      %dma_wait3A_316 = arith.constant 0 : i32
      %dma_wait3A_317 = arith.constant 0 : i32
      %dma_wait3A_318 = tpu.memref_slice %arg8[%run_scoped3A, %dma_wait3A_316, %dma_wait3A_317] : memref<2x128x128xf32, #tpu.memory_space<vmem>> -> memref<1x128x128xf32, #tpu.memory_space<vmem>>
      %dma_wait3A_319 = tpu.memref_squeeze %dma_wait3A_318 : memref<1x128x128xf32, #tpu.memory_space<vmem>> -> memref<128x128xf32, #tpu.memory_space<vmem>>
      %dma_wait3A_320 = arith.constant 0 : i32
      %dma_wait3A_321 = tpu.memref_slice %arg7[%run_scoped3A_231, %dma_wait3A_320] : memref<40x128xi32, #tpu.memory_space<vmem>> -> memref<1x128xi32, #tpu.memory_space<vmem>>
      %dma_wait3A_322 = tpu.memref_squeeze %dma_wait3A_321 : memref<1x128xi32, #tpu.memory_space<vmem>> -> memref<128xi32, #tpu.memory_space<vmem>>
      %dma_wait3A_323 = arith.constant 0 : i32
      %dma_wait3A_324 = arith.constant 0 : i32
      %dma_wait3A_325 = tpu.memref_slice %arg9[%dma_wait3A_323, %dma_wait3A_324] : memref<10240x128xf32, #tpu.memory_space<vmem_shared>> -> memref<10240x128xf32, #tpu.memory_space<vmem_shared>>
      tpu.wait_indirect_dma semaphore(%run_scoped3A_305 : memref<!tpu.dma_semaphore, #tpu.memory_space<semaphore_mem>>) src(%dma_wait3A_319 : memref<128x128xf32, #tpu.memory_space<vmem>>) dst(%dma_wait3A_325 : memref<10240x128xf32, #tpu.memory_space<vmem_shared>>)
      tpu.yield
    }) : () -> ()
    %dma_wait3A_232 = arith.constant 39 : i32
    %dma_wait3A_233 = arith.constant 1 : i32
    %dma_wait3A_234 = arith.constant 0 : i32
    %dma_wait3A_235 = arith.constant 0 : i32
    %dma_wait3A_236 = tpu.memref_slice %arg8[%dma_wait3A_233, %dma_wait3A_234, %dma_wait3A_235] : memref<2x128x128xf32, #tpu.memory_space<vmem>> -> memref<1x128x128xf32, #tpu.memory_space<vmem>>
    %dma_wait3A_237 = tpu.memref_squeeze %dma_wait3A_236 : memref<1x128x128xf32, #tpu.memory_space<vmem>> -> memref<128x128xf32, #tpu.memory_space<vmem>>
    %dma_wait3A_238 = arith.constant 0 : i32
    %dma_wait3A_239 = tpu.memref_slice %arg6[%dma_wait3A_232, %dma_wait3A_238] : memref<40x128xi32, #tpu.memory_space<vmem>> -> memref<1x128xi32, #tpu.memory_space<vmem>>
    %dma_wait3A_240 = tpu.memref_squeeze %dma_wait3A_239 : memref<1x128xi32, #tpu.memory_space<vmem>> -> memref<128xi32, #tpu.memory_space<vmem>>
    %dma_wait3A_241 = arith.constant 0 : i32
    %dma_wait3A_242 = arith.constant 0 : i32
    %dma_wait3A_243 = tpu.memref_slice %arg4[%dma_wait3A_241, %dma_wait3A_242] : memref<10000x128xf32, #tpu.memory_space<hbm>> -> memref<10000x128xf32, #tpu.memory_space<hbm>>
    tpu.wait_indirect_dma semaphore(%arg11 : memref<!tpu.dma_semaphore, #tpu.memory_space<semaphore_mem>>) src(%dma_wait3A_243 : memref<10000x128xf32, #tpu.memory_space<hbm>>) dst(%dma_wait3A_237 : memref<128x128xf32, #tpu.memory_space<vmem>>)
    %run_scoped3A_244 = arith.constant 1 : i32
    %run_scoped3A_245 = arith.constant 39 : i32
    "tpu.region"() ({
      %run_scoped3A_305 = tpu.sem_alloc : memref<!tpu.dma_semaphore, #tpu.memory_space<semaphore_mem>>
      %dma_start3A_306 = arith.constant 0 : i32
      %dma_start3A_307 = arith.constant 0 : i32
      %dma_start3A_308 = tpu.memref_slice %arg8[%run_scoped3A_244, %dma_start3A_306, %dma_start3A_307] : memref<2x128x128xf32, #tpu.memory_space<vmem>> -> memref<1x128x128xf32, #tpu.memory_space<vmem>>
      %dma_start3A_309 = tpu.memref_squeeze %dma_start3A_308 : memref<1x128x128xf32, #tpu.memory_space<vmem>> -> memref<128x128xf32, #tpu.memory_space<vmem>>
      %dma_start3A_310 = arith.constant 0 : i32
      %dma_start3A_311 = tpu.memref_slice %arg7[%run_scoped3A_245, %dma_start3A_310] : memref<40x128xi32, #tpu.memory_space<vmem>> -> memref<1x128xi32, #tpu.memory_space<vmem>>
      %dma_start3A_312 = tpu.memref_squeeze %dma_start3A_311 : memref<1x128xi32, #tpu.memory_space<vmem>> -> memref<128xi32, #tpu.memory_space<vmem>>
      %dma_start3A_313 = arith.constant 0 : i32
      %dma_start3A_314 = arith.constant 0 : i32
      %dma_start3A_315 = tpu.memref_slice %arg9[%dma_start3A_313, %dma_start3A_314] : memref<10240x128xf32, #tpu.memory_space<vmem_shared>> -> memref<10240x128xf32, #tpu.memory_space<vmem_shared>>
      tpu.enqueue_indirect_dma source(%dma_start3A_309 : memref<128x128xf32, #tpu.memory_space<vmem>>) target(%dma_start3A_315 : memref<10240x128xf32, #tpu.memory_space<vmem_shared>>) offsets(%dma_start3A_312 : memref<128xi32, #tpu.memory_space<vmem>>) semaphore(%run_scoped3A_305 : memref<!tpu.dma_semaphore, #tpu.memory_space<semaphore_mem>>) {add = true}
      %dma_wait3A_316 = arith.constant 0 : i32
      %dma_wait3A_317 = arith.constant 0 : i32
      %dma_wait3A_318 = tpu.memref_slice %arg8[%run_scoped3A_244, %dma_wait3A_316, %dma_wait3A_317] : memref<2x128x128xf32, #tpu.memory_space<vmem>> -> memref<1x128x128xf32, #tpu.memory_space<vmem>>
      %dma_wait3A_319 = tpu.memref_squeeze %dma_wait3A_318 : memref<1x128x128xf32, #tpu.memory_space<vmem>> -> memref<128x128xf32, #tpu.memory_space<vmem>>
      %dma_wait3A_320 = arith.constant 0 : i32
      %dma_wait3A_321 = tpu.memref_slice %arg7[%run_scoped3A_245, %dma_wait3A_320] : memref<40x128xi32, #tpu.memory_space<vmem>> -> memref<1x128xi32, #tpu.memory_space<vmem>>
      %dma_wait3A_322 = tpu.memref_squeeze %dma_wait3A_321 : memref<1x128xi32, #tpu.memory_space<vmem>> -> memref<128xi32, #tpu.memory_space<vmem>>
      %dma_wait3A_323 = arith.constant 0 : i32
      %dma_wait3A_324 = arith.constant 0 : i32
      %dma_wait3A_325 = tpu.memref_slice %arg9[%dma_wait3A_323, %dma_wait3A_324] : memref<10240x128xf32, #tpu.memory_space<vmem_shared>> -> memref<10240x128xf32, #tpu.memory_space<vmem_shared>>
      tpu.wait_indirect_dma semaphore(%run_scoped3A_305 : memref<!tpu.dma_semaphore, #tpu.memory_space<semaphore_mem>>) src(%dma_wait3A_319 : memref<128x128xf32, #tpu.memory_space<vmem>>) dst(%dma_wait3A_325 : memref<10240x128xf32, #tpu.memory_space<vmem_shared>>)
      tpu.yield
    }) : () -> ()
    "tpu.region"() ({
      %run_scoped3A_305 = tpu.sem_alloc : memref<!tpu.dma_semaphore, #tpu.memory_space<semaphore_mem>>
      %dma_start3A_306 = arith.constant 40 : i32
      %dma_start3A_307 = arith.constant 0 : i32
      %dma_start3A_308 = tpu.memref_slice %arg2[%add3A, %dma_start3A_306, %dma_start3A_307] : memref<32x80x128xi32, #tpu.memory_space<hbm>> -> memref<1x40x128xi32, #tpu.memory_space<hbm>>
      %dma_start3A_309 = tpu.memref_squeeze %dma_start3A_308 : memref<1x40x128xi32, #tpu.memory_space<hbm>> -> memref<40x128xi32, #tpu.memory_space<hbm>>
      %dma_start3A_310 = arith.constant 40 : i32
      %dma_start3A_311 = arith.constant 0 : i32
      %dma_start3A_312 = tpu.memref_slice %arg2[%add3A, %dma_start3A_310, %dma_start3A_311] : memref<32x80x128xi32, #tpu.memory_space<hbm>> -> memref<1x40x128xi32, #tpu.memory_space<hbm>>
      %dma_start3A_313 = tpu.memref_squeeze %dma_start3A_312 : memref<1x40x128xi32, #tpu.memory_space<hbm>> -> memref<40x128xi32, #tpu.memory_space<hbm>>
      tpu.enqueue_dma source(%dma_start3A_313 : memref<40x128xi32, #tpu.memory_space<hbm>>) target(%arg6 : memref<40x128xi32, #tpu.memory_space<vmem>>) target_semaphore(%run_scoped3A_305 : memref<!tpu.dma_semaphore, #tpu.memory_space<semaphore_mem>>)
      %dma_wait3A_314 = arith.constant 40 : i32
      %dma_wait3A_315 = arith.constant 0 : i32
      %dma_wait3A_316 = tpu.memref_slice %arg2[%add3A, %dma_wait3A_314, %dma_wait3A_315] : memref<32x80x128xi32, #tpu.memory_space<hbm>> -> memref<1x40x128xi32, #tpu.memory_space<hbm>>
      %dma_wait3A_317 = tpu.memref_squeeze %dma_wait3A_316 : memref<1x40x128xi32, #tpu.memory_space<hbm>> -> memref<40x128xi32, #tpu.memory_space<hbm>>
      %dma_wait3A_318 = arith.constant 40 : i32
      %dma_wait3A_319 = arith.constant 0 : i32
      %dma_wait3A_320 = tpu.memref_slice %arg2[%add3A, %dma_wait3A_318, %dma_wait3A_319] : memref<32x80x128xi32, #tpu.memory_space<hbm>> -> memref<1x40x128xi32, #tpu.memory_space<hbm>>
      %dma_wait3A_321 = tpu.memref_squeeze %dma_wait3A_320 : memref<1x40x128xi32, #tpu.memory_space<hbm>> -> memref<40x128xi32, #tpu.memory_space<hbm>>
      tpu.wait_dma2 semaphore(%run_scoped3A_305 : memref<!tpu.dma_semaphore, #tpu.memory_space<semaphore_mem>>) src(%dma_wait3A_321 : memref<40x128xi32, #tpu.memory_space<hbm>>) dst(%arg6 : memref<40x128xi32, #tpu.memory_space<vmem>>)
      tpu.yield
    }) : () -> ()
    "tpu.region"() ({
      %run_scoped3A_305 = tpu.sem_alloc : memref<!tpu.dma_semaphore, #tpu.memory_space<semaphore_mem>>
      %dma_start3A_306 = arith.constant 40 : i32
      %dma_start3A_307 = arith.constant 0 : i32
      %dma_start3A_308 = tpu.memref_slice %arg3[%add3A, %dma_start3A_306, %dma_start3A_307] : memref<32x80x128xi32, #tpu.memory_space<hbm>> -> memref<1x40x128xi32, #tpu.memory_space<hbm>>
      %dma_start3A_309 = tpu.memref_squeeze %dma_start3A_308 : memref<1x40x128xi32, #tpu.memory_space<hbm>> -> memref<40x128xi32, #tpu.memory_space<hbm>>
      %dma_start3A_310 = arith.constant 40 : i32
      %dma_start3A_311 = arith.constant 0 : i32
      %dma_start3A_312 = tpu.memref_slice %arg3[%add3A, %dma_start3A_310, %dma_start3A_311] : memref<32x80x128xi32, #tpu.memory_space<hbm>> -> memref<1x40x128xi32, #tpu.memory_space<hbm>>
      %dma_start3A_313 = tpu.memref_squeeze %dma_start3A_312 : memref<1x40x128xi32, #tpu.memory_space<hbm>> -> memref<40x128xi32, #tpu.memory_space<hbm>>
      tpu.enqueue_dma source(%dma_start3A_313 : memref<40x128xi32, #tpu.memory_space<hbm>>) target(%arg7 : memref<40x128xi32, #tpu.memory_space<vmem>>) target_semaphore(%run_scoped3A_305 : memref<!tpu.dma_semaphore, #tpu.memory_space<semaphore_mem>>)
      %dma_wait3A_314 = arith.constant 40 : i32
      %dma_wait3A_315 = arith.constant 0 : i32
      %dma_wait3A_316 = tpu.memref_slice %arg3[%add3A, %dma_wait3A_314, %dma_wait3A_315] : memref<32x80x128xi32, #tpu.memory_space<hbm>> -> memref<1x40x128xi32, #tpu.memory_space<hbm>>
      %dma_wait3A_317 = tpu.memref_squeeze %dma_wait3A_316 : memref<1x40x128xi32, #tpu.memory_space<hbm>> -> memref<40x128xi32, #tpu.memory_space<hbm>>
      %dma_wait3A_318 = arith.constant 40 : i32
      %dma_wait3A_319 = arith.constant 0 : i32
      %dma_wait3A_320 = tpu.memref_slice %arg3[%add3A, %dma_wait3A_318, %dma_wait3A_319] : memref<32x80x128xi32, #tpu.memory_space<hbm>> -> memref<1x40x128xi32, #tpu.memory_space<hbm>>
      %dma_wait3A_321 = tpu.memref_squeeze %dma_wait3A_320 : memref<1x40x128xi32, #tpu.memory_space<hbm>> -> memref<40x128xi32, #tpu.memory_space<hbm>>
      tpu.wait_dma2 semaphore(%run_scoped3A_305 : memref<!tpu.dma_semaphore, #tpu.memory_space<semaphore_mem>>) src(%dma_wait3A_321 : memref<40x128xi32, #tpu.memory_space<hbm>>) dst(%arg7 : memref<40x128xi32, #tpu.memory_space<vmem>>)
      tpu.yield
    }) : () -> ()
    %dma_start3A_246 = arith.constant 0 : i32
    %dma_start3A_247 = arith.constant 0 : i32
    %dma_start3A_248 = arith.constant 0 : i32
    %dma_start3A_249 = arith.constant 0 : i32
    %dma_start3A_250 = tpu.memref_slice %arg8[%dma_start3A_247, %dma_start3A_248, %dma_start3A_249] : memref<2x128x128xf32, #tpu.memory_space<vmem>> -> memref<1x128x128xf32, #tpu.memory_space<vmem>>
    %dma_start3A_251 = tpu.memref_squeeze %dma_start3A_250 : memref<1x128x128xf32, #tpu.memory_space<vmem>> -> memref<128x128xf32, #tpu.memory_space<vmem>>
    %dma_start3A_252 = arith.constant 0 : i32
    %dma_start3A_253 = tpu.memref_slice %arg6[%dma_start3A_246, %dma_start3A_252] : memref<40x128xi32, #tpu.memory_space<vmem>> -> memref<1x128xi32, #tpu.memory_space<vmem>>
    %dma_start3A_254 = tpu.memref_squeeze %dma_start3A_253 : memref<1x128xi32, #tpu.memory_space<vmem>> -> memref<128xi32, #tpu.memory_space<vmem>>
    %dma_start3A_255 = arith.constant 0 : i32
    %dma_start3A_256 = arith.constant 0 : i32
    %dma_start3A_257 = tpu.memref_slice %arg4[%dma_start3A_255, %dma_start3A_256] : memref<10000x128xf32, #tpu.memory_space<hbm>> -> memref<10000x128xf32, #tpu.memory_space<hbm>>
    tpu.enqueue_indirect_dma source(%dma_start3A_257 : memref<10000x128xf32, #tpu.memory_space<hbm>>) target(%dma_start3A_251 : memref<128x128xf32, #tpu.memory_space<vmem>>) offsets(%dma_start3A_254 : memref<128xi32, #tpu.memory_space<vmem>>) semaphore(%arg10 : memref<!tpu.dma_semaphore, #tpu.memory_space<semaphore_mem>>)
    %scan3A_258 = arith.constant 0 : i32
    %scan3A_259 = arith.constant 0 : i32
    %scan3A_260 = arith.constant 19 : i32
    %scan3A_261 = arith.addi %scan3A_259, %scan3A_260 : i32
    %scan3A_262 = arith.constant 1 : i32
    scf.for %scan3A_305 = %scan3A_259 to %scan3A_261 step %scan3A_262  : i32 {
      %mul3A_306 = arith.constant 2 : i32
      %mul3A_307 = arith.muli %mul3A_306, %scan3A_305 : i32
      %add3A_308 = arith.constant 1 : i32
      %add3A_309 = arith.addi %mul3A_307, %add3A_308 : i32
      %dma_start3A_310 = arith.constant 1 : i32
      %dma_start3A_311 = arith.constant 0 : i32
      %dma_start3A_312 = arith.constant 0 : i32
      %dma_start3A_313 = tpu.memref_slice %arg8[%dma_start3A_310, %dma_start3A_311, %dma_start3A_312] : memref<2x128x128xf32, #tpu.memory_space<vmem>> -> memref<1x128x128xf32, #tpu.memory_space<vmem>>
      %dma_start3A_314 = tpu.memref_squeeze %dma_start3A_313 : memref<1x128x128xf32, #tpu.memory_space<vmem>> -> memref<128x128xf32, #tpu.memory_space<vmem>>
      %dma_start3A_315 = arith.constant 0 : i32
      %dma_start3A_316 = tpu.memref_slice %arg6[%add3A_309, %dma_start3A_315] : memref<40x128xi32, #tpu.memory_space<vmem>> -> memref<1x128xi32, #tpu.memory_space<vmem>>
      %dma_start3A_317 = tpu.memref_squeeze %dma_start3A_316 : memref<1x128xi32, #tpu.memory_space<vmem>> -> memref<128xi32, #tpu.memory_space<vmem>>
      %dma_start3A_318 = arith.constant 0 : i32
      %dma_start3A_319 = arith.constant 0 : i32
      %dma_start3A_320 = tpu.memref_slice %arg4[%dma_start3A_318, %dma_start3A_319] : memref<10000x128xf32, #tpu.memory_space<hbm>> -> memref<10000x128xf32, #tpu.memory_space<hbm>>
      tpu.enqueue_indirect_dma source(%dma_start3A_320 : memref<10000x128xf32, #tpu.memory_space<hbm>>) target(%dma_start3A_314 : memref<128x128xf32, #tpu.memory_space<vmem>>) offsets(%dma_start3A_317 : memref<128xi32, #tpu.memory_space<vmem>>) semaphore(%arg11 : memref<!tpu.dma_semaphore, #tpu.memory_space<semaphore_mem>>)
      %dma_wait3A_321 = arith.constant 0 : i32
      %dma_wait3A_322 = arith.constant 0 : i32
      %dma_wait3A_323 = arith.constant 0 : i32
      %dma_wait3A_324 = tpu.memref_slice %arg8[%dma_wait3A_321, %dma_wait3A_322, %dma_wait3A_323] : memref<2x128x128xf32, #tpu.memory_space<vmem>> -> memref<1x128x128xf32, #tpu.memory_space<vmem>>
      %dma_wait3A_325 = tpu.memref_squeeze %dma_wait3A_324 : memref<1x128x128xf32, #tpu.memory_space<vmem>> -> memref<128x128xf32, #tpu.memory_space<vmem>>
      %dma_wait3A_326 = arith.constant 0 : i32
      %dma_wait3A_327 = tpu.memref_slice %arg6[%mul3A_307, %dma_wait3A_326] : memref<40x128xi32, #tpu.memory_space<vmem>> -> memref<1x128xi32, #tpu.memory_space<vmem>>
      %dma_wait3A_328 = tpu.memref_squeeze %dma_wait3A_327 : memref<1x128xi32, #tpu.memory_space<vmem>> -> memref<128xi32, #tpu.memory_space<vmem>>
      %dma_wait3A_329 = arith.constant 0 : i32
      %dma_wait3A_330 = arith.constant 0 : i32
      %dma_wait3A_331 = tpu.memref_slice %arg4[%dma_wait3A_329, %dma_wait3A_330] : memref<10000x128xf32, #tpu.memory_space<hbm>> -> memref<10000x128xf32, #tpu.memory_space<hbm>>
      tpu.wait_indirect_dma semaphore(%arg10 : memref<!tpu.dma_semaphore, #tpu.memory_space<semaphore_mem>>) src(%dma_wait3A_331 : memref<10000x128xf32, #tpu.memory_space<hbm>>) dst(%dma_wait3A_325 : memref<128x128xf32, #tpu.memory_space<vmem>>)
      %run_scoped3A_332 = arith.constant 0 : i32
      "tpu.region"() ({
        %run_scoped3A_362 = tpu.sem_alloc : memref<!tpu.dma_semaphore, #tpu.memory_space<semaphore_mem>>
        %dma_start3A_363 = arith.constant 0 : i32
        %dma_start3A_364 = arith.constant 0 : i32
        %dma_start3A_365 = tpu.memref_slice %arg8[%run_scoped3A_332, %dma_start3A_363, %dma_start3A_364] : memref<2x128x128xf32, #tpu.memory_space<vmem>> -> memref<1x128x128xf32, #tpu.memory_space<vmem>>
        %dma_start3A_366 = tpu.memref_squeeze %dma_start3A_365 : memref<1x128x128xf32, #tpu.memory_space<vmem>> -> memref<128x128xf32, #tpu.memory_space<vmem>>
        %dma_start3A_367 = arith.constant 0 : i32
        %dma_start3A_368 = tpu.memref_slice %arg7[%mul3A_307, %dma_start3A_367] : memref<40x128xi32, #tpu.memory_space<vmem>> -> memref<1x128xi32, #tpu.memory_space<vmem>>
        %dma_start3A_369 = tpu.memref_squeeze %dma_start3A_368 : memref<1x128xi32, #tpu.memory_space<vmem>> -> memref<128xi32, #tpu.memory_space<vmem>>
        %dma_start3A_370 = arith.constant 0 : i32
        %dma_start3A_371 = arith.constant 0 : i32
        %dma_start3A_372 = tpu.memref_slice %arg9[%dma_start3A_370, %dma_start3A_371] : memref<10240x128xf32, #tpu.memory_space<vmem_shared>> -> memref<10240x128xf32, #tpu.memory_space<vmem_shared>>
        tpu.enqueue_indirect_dma source(%dma_start3A_366 : memref<128x128xf32, #tpu.memory_space<vmem>>) target(%dma_start3A_372 : memref<10240x128xf32, #tpu.memory_space<vmem_shared>>) offsets(%dma_start3A_369 : memref<128xi32, #tpu.memory_space<vmem>>) semaphore(%run_scoped3A_362 : memref<!tpu.dma_semaphore, #tpu.memory_space<semaphore_mem>>) {add = true}
        %dma_wait3A_373 = arith.constant 0 : i32
        %dma_wait3A_374 = arith.constant 0 : i32
        %dma_wait3A_375 = tpu.memref_slice %arg8[%run_scoped3A_332, %dma_wait3A_373, %dma_wait3A_374] : memref<2x128x128xf32, #tpu.memory_space<vmem>> -> memref<1x128x128xf32, #tpu.memory_space<vmem>>
        %dma_wait3A_376 = tpu.memref_squeeze %dma_wait3A_375 : memref<1x128x128xf32, #tpu.memory_space<vmem>> -> memref<128x128xf32, #tpu.memory_space<vmem>>
        %dma_wait3A_377 = arith.constant 0 : i32
        %dma_wait3A_378 = tpu.memref_slice %arg7[%mul3A_307, %dma_wait3A_377] : memref<40x128xi32, #tpu.memory_space<vmem>> -> memref<1x128xi32, #tpu.memory_space<vmem>>
        %dma_wait3A_379 = tpu.memref_squeeze %dma_wait3A_378 : memref<1x128xi32, #tpu.memory_space<vmem>> -> memref<128xi32, #tpu.memory_space<vmem>>
        %dma_wait3A_380 = arith.constant 0 : i32
        %dma_wait3A_381 = arith.constant 0 : i32
        %dma_wait3A_382 = tpu.memref_slice %arg9[%dma_wait3A_380, %dma_wait3A_381] : memref<10240x128xf32, #tpu.memory_space<vmem_shared>> -> memref<10240x128xf32, #tpu.memory_space<vmem_shared>>
        tpu.wait_indirect_dma semaphore(%run_scoped3A_362 : memref<!tpu.dma_semaphore, #tpu.memory_space<semaphore_mem>>) src(%dma_wait3A_376 : memref<128x128xf32, #tpu.memory_space<vmem>>) dst(%dma_wait3A_382 : memref<10240x128xf32, #tpu.memory_space<vmem_shared>>)
        tpu.yield
      }) : () -> ()
      %add3A_333 = arith.constant 2 : i32
      %add3A_334 = arith.addi %mul3A_307, %add3A_333 : i32
      %dma_start3A_335 = arith.constant 0 : i32
      %dma_start3A_336 = arith.constant 0 : i32
      %dma_start3A_337 = arith.constant 0 : i32
      %dma_start3A_338 = tpu.memref_slice %arg8[%dma_start3A_335, %dma_start3A_336, %dma_start3A_337] : memref<2x128x128xf32, #tpu.memory_space<vmem>> -> memref<1x128x128xf32, #tpu.memory_space<vmem>>
      %dma_start3A_339 = tpu.memref_squeeze %dma_start3A_338 : memref<1x128x128xf32, #tpu.memory_space<vmem>> -> memref<128x128xf32, #tpu.memory_space<vmem>>
      %dma_start3A_340 = arith.constant 0 : i32
      %dma_start3A_341 = tpu.memref_slice %arg6[%add3A_334, %dma_start3A_340] : memref<40x128xi32, #tpu.memory_space<vmem>> -> memref<1x128xi32, #tpu.memory_space<vmem>>
      %dma_start3A_342 = tpu.memref_squeeze %dma_start3A_341 : memref<1x128xi32, #tpu.memory_space<vmem>> -> memref<128xi32, #tpu.memory_space<vmem>>
      %dma_start3A_343 = arith.constant 0 : i32
      %dma_start3A_344 = arith.constant 0 : i32
      %dma_start3A_345 = tpu.memref_slice %arg4[%dma_start3A_343, %dma_start3A_344] : memref<10000x128xf32, #tpu.memory_space<hbm>> -> memref<10000x128xf32, #tpu.memory_space<hbm>>
      tpu.enqueue_indirect_dma source(%dma_start3A_345 : memref<10000x128xf32, #tpu.memory_space<hbm>>) target(%dma_start3A_339 : memref<128x128xf32, #tpu.memory_space<vmem>>) offsets(%dma_start3A_342 : memref<128xi32, #tpu.memory_space<vmem>>) semaphore(%arg10 : memref<!tpu.dma_semaphore, #tpu.memory_space<semaphore_mem>>)
      %add3A_346 = arith.constant 1 : i32
      %add3A_347 = arith.addi %mul3A_307, %add3A_346 : i32
      %dma_wait3A_348 = arith.constant 1 : i32
      %dma_wait3A_349 = arith.constant 0 : i32
      %dma_wait3A_350 = arith.constant 0 : i32
      %dma_wait3A_351 = tpu.memref_slice %arg8[%dma_wait3A_348, %dma_wait3A_349, %dma_wait3A_350] : memref<2x128x128xf32, #tpu.memory_space<vmem>> -> memref<1x128x128xf32, #tpu.memory_space<vmem>>
      %dma_wait3A_352 = tpu.memref_squeeze %dma_wait3A_351 : memref<1x128x128xf32, #tpu.memory_space<vmem>> -> memref<128x128xf32, #tpu.memory_space<vmem>>
      %dma_wait3A_353 = arith.constant 0 : i32
      %dma_wait3A_354 = tpu.memref_slice %arg6[%add3A_347, %dma_wait3A_353] : memref<40x128xi32, #tpu.memory_space<vmem>> -> memref<1x128xi32, #tpu.memory_space<vmem>>
      %dma_wait3A_355 = tpu.memref_squeeze %dma_wait3A_354 : memref<1x128xi32, #tpu.memory_space<vmem>> -> memref<128xi32, #tpu.memory_space<vmem>>
      %dma_wait3A_356 = arith.constant 0 : i32
      %dma_wait3A_357 = arith.constant 0 : i32
      %dma_wait3A_358 = tpu.memref_slice %arg4[%dma_wait3A_356, %dma_wait3A_357] : memref<10000x128xf32, #tpu.memory_space<hbm>> -> memref<10000x128xf32, #tpu.memory_space<hbm>>
      tpu.wait_indirect_dma semaphore(%arg11 : memref<!tpu.dma_semaphore, #tpu.memory_space<semaphore_mem>>) src(%dma_wait3A_358 : memref<10000x128xf32, #tpu.memory_space<hbm>>) dst(%dma_wait3A_352 : memref<128x128xf32, #tpu.memory_space<vmem>>)
      %add3A_359 = arith.constant 1 : i32
      %add3A_360 = arith.addi %mul3A_307, %add3A_359 : i32
      %run_scoped3A_361 = arith.constant 1 : i32
      "tpu.region"() ({
        %run_scoped3A_362 = tpu.sem_alloc : memref<!tpu.dma_semaphore, #tpu.memory_space<semaphore_mem>>
        %dma_start3A_363 = arith.constant 0 : i32
        %dma_start3A_364 = arith.constant 0 : i32
        %dma_start3A_365 = tpu.memref_slice %arg8[%run_scoped3A_361, %dma_start3A_363, %dma_start3A_364] : memref<2x128x128xf32, #tpu.memory_space<vmem>> -> memref<1x128x128xf32, #tpu.memory_space<vmem>>
        %dma_start3A_366 = tpu.memref_squeeze %dma_start3A_365 : memref<1x128x128xf32, #tpu.memory_space<vmem>> -> memref<128x128xf32, #tpu.memory_space<vmem>>
        %dma_start3A_367 = arith.constant 0 : i32
        %dma_start3A_368 = tpu.memref_slice %arg7[%add3A_360, %dma_start3A_367] : memref<40x128xi32, #tpu.memory_space<vmem>> -> memref<1x128xi32, #tpu.memory_space<vmem>>
        %dma_start3A_369 = tpu.memref_squeeze %dma_start3A_368 : memref<1x128xi32, #tpu.memory_space<vmem>> -> memref<128xi32, #tpu.memory_space<vmem>>
        %dma_start3A_370 = arith.constant 0 : i32
        %dma_start3A_371 = arith.constant 0 : i32
        %dma_start3A_372 = tpu.memref_slice %arg9[%dma_start3A_370, %dma_start3A_371] : memref<10240x128xf32, #tpu.memory_space<vmem_shared>> -> memref<10240x128xf32, #tpu.memory_space<vmem_shared>>
        tpu.enqueue_indirect_dma source(%dma_start3A_366 : memref<128x128xf32, #tpu.memory_space<vmem>>) target(%dma_start3A_372 : memref<10240x128xf32, #tpu.memory_space<vmem_shared>>) offsets(%dma_start3A_369 : memref<128xi32, #tpu.memory_space<vmem>>) semaphore(%run_scoped3A_362 : memref<!tpu.dma_semaphore, #tpu.memory_space<semaphore_mem>>) {add = true}
        %dma_wait3A_373 = arith.constant 0 : i32
        %dma_wait3A_374 = arith.constant 0 : i32
        %dma_wait3A_375 = tpu.memref_slice %arg8[%run_scoped3A_361, %dma_wait3A_373, %dma_wait3A_374] : memref<2x128x128xf32, #tpu.memory_space<vmem>> -> memref<1x128x128xf32, #tpu.memory_space<vmem>>
        %dma_wait3A_376 = tpu.memref_squeeze %dma_wait3A_375 : memref<1x128x128xf32, #tpu.memory_space<vmem>> -> memref<128x128xf32, #tpu.memory_space<vmem>>
        %dma_wait3A_377 = arith.constant 0 : i32
        %dma_wait3A_378 = tpu.memref_slice %arg7[%add3A_360, %dma_wait3A_377] : memref<40x128xi32, #tpu.memory_space<vmem>> -> memref<1x128xi32, #tpu.memory_space<vmem>>
        %dma_wait3A_379 = tpu.memref_squeeze %dma_wait3A_378 : memref<1x128xi32, #tpu.memory_space<vmem>> -> memref<128xi32, #tpu.memory_space<vmem>>
        %dma_wait3A_380 = arith.constant 0 : i32
        %dma_wait3A_381 = arith.constant 0 : i32
        %dma_wait3A_382 = tpu.memref_slice %arg9[%dma_wait3A_380, %dma_wait3A_381] : memref<10240x128xf32, #tpu.memory_space<vmem_shared>> -> memref<10240x128xf32, #tpu.memory_space<vmem_shared>>
        tpu.wait_indirect_dma semaphore(%run_scoped3A_362 : memref<!tpu.dma_semaphore, #tpu.memory_space<semaphore_mem>>) src(%dma_wait3A_376 : memref<128x128xf32, #tpu.memory_space<vmem>>) dst(%dma_wait3A_382 : memref<10240x128xf32, #tpu.memory_space<vmem_shared>>)
        tpu.yield
      }) : () -> ()
    }
    %scan3A_263 = arith.constant 19 : i32
    %dma_start3A_264 = arith.constant 39 : i32
    %dma_start3A_265 = arith.constant 1 : i32
    %dma_start3A_266 = arith.constant 0 : i32
    %dma_start3A_267 = arith.constant 0 : i32
    %dma_start3A_268 = tpu.memref_slice %arg8[%dma_start3A_265, %dma_start3A_266, %dma_start3A_267] : memref<2x128x128xf32, #tpu.memory_space<vmem>> -> memref<1x128x128xf32, #tpu.memory_space<vmem>>
    %dma_start3A_269 = tpu.memref_squeeze %dma_start3A_268 : memref<1x128x128xf32, #tpu.memory_space<vmem>> -> memref<128x128xf32, #tpu.memory_space<vmem>>
    %dma_start3A_270 = arith.constant 0 : i32
    %dma_start3A_271 = tpu.memref_slice %arg6[%dma_start3A_264, %dma_start3A_270] : memref<40x128xi32, #tpu.memory_space<vmem>> -> memref<1x128xi32, #tpu.memory_space<vmem>>
    %dma_start3A_272 = tpu.memref_squeeze %dma_start3A_271 : memref<1x128xi32, #tpu.memory_space<vmem>> -> memref<128xi32, #tpu.memory_space<vmem>>
    %dma_start3A_273 = arith.constant 0 : i32
    %dma_start3A_274 = arith.constant 0 : i32
    %dma_start3A_275 = tpu.memref_slice %arg4[%dma_start3A_273, %dma_start3A_274] : memref<10000x128xf32, #tpu.memory_space<hbm>> -> memref<10000x128xf32, #tpu.memory_space<hbm>>
    tpu.enqueue_indirect_dma source(%dma_start3A_275 : memref<10000x128xf32, #tpu.memory_space<hbm>>) target(%dma_start3A_269 : memref<128x128xf32, #tpu.memory_space<vmem>>) offsets(%dma_start3A_272 : memref<128xi32, #tpu.memory_space<vmem>>) semaphore(%arg11 : memref<!tpu.dma_semaphore, #tpu.memory_space<semaphore_mem>>)
    %dma_wait3A_276 = arith.constant 38 : i32
    %dma_wait3A_277 = arith.constant 0 : i32
    %dma_wait3A_278 = arith.constant 0 : i32
    %dma_wait3A_279 = arith.constant 0 : i32
    %dma_wait3A_280 = tpu.memref_slice %arg8[%dma_wait3A_277, %dma_wait3A_278, %dma_wait3A_279] : memref<2x128x128xf32, #tpu.memory_space<vmem>> -> memref<1x128x128xf32, #tpu.memory_space<vmem>>
    %dma_wait3A_281 = tpu.memref_squeeze %dma_wait3A_280 : memref<1x128x128xf32, #tpu.memory_space<vmem>> -> memref<128x128xf32, #tpu.memory_space<vmem>>
    %dma_wait3A_282 = arith.constant 0 : i32
    %dma_wait3A_283 = tpu.memref_slice %arg6[%dma_wait3A_276, %dma_wait3A_282] : memref<40x128xi32, #tpu.memory_space<vmem>> -> memref<1x128xi32, #tpu.memory_space<vmem>>
    %dma_wait3A_284 = tpu.memref_squeeze %dma_wait3A_283 : memref<1x128xi32, #tpu.memory_space<vmem>> -> memref<128xi32, #tpu.memory_space<vmem>>
    %dma_wait3A_285 = arith.constant 0 : i32
    %dma_wait3A_286 = arith.constant 0 : i32
    %dma_wait3A_287 = tpu.memref_slice %arg4[%dma_wait3A_285, %dma_wait3A_286] : memref<10000x128xf32, #tpu.memory_space<hbm>> -> memref<10000x128xf32, #tpu.memory_space<hbm>>
    tpu.wait_indirect_dma semaphore(%arg10 : memref<!tpu.dma_semaphore, #tpu.memory_space<semaphore_mem>>) src(%dma_wait3A_287 : memref<10000x128xf32, #tpu.memory_space<hbm>>) dst(%dma_wait3A_281 : memref<128x128xf32, #tpu.memory_space<vmem>>)
    %run_scoped3A_288 = arith.constant 0 : i32
    %run_scoped3A_289 = arith.constant 38 : i32
    "tpu.region"() ({
      %run_scoped3A_305 = tpu.sem_alloc : memref<!tpu.dma_semaphore, #tpu.memory_space<semaphore_mem>>
      %dma_start3A_306 = arith.constant 0 : i32
      %dma_start3A_307 = arith.constant 0 : i32
      %dma_start3A_308 = tpu.memref_slice %arg8[%run_scoped3A_288, %dma_start3A_306, %dma_start3A_307] : memref<2x128x128xf32, #tpu.memory_space<vmem>> -> memref<1x128x128xf32, #tpu.memory_space<vmem>>
      %dma_start3A_309 = tpu.memref_squeeze %dma_start3A_308 : memref<1x128x128xf32, #tpu.memory_space<vmem>> -> memref<128x128xf32, #tpu.memory_space<vmem>>
      %dma_start3A_310 = arith.constant 0 : i32
      %dma_start3A_311 = tpu.memref_slice %arg7[%run_scoped3A_289, %dma_start3A_310] : memref<40x128xi32, #tpu.memory_space<vmem>> -> memref<1x128xi32, #tpu.memory_space<vmem>>
      %dma_start3A_312 = tpu.memref_squeeze %dma_start3A_311 : memref<1x128xi32, #tpu.memory_space<vmem>> -> memref<128xi32, #tpu.memory_space<vmem>>
      %dma_start3A_313 = arith.constant 0 : i32
      %dma_start3A_314 = arith.constant 0 : i32
      %dma_start3A_315 = tpu.memref_slice %arg9[%dma_start3A_313, %dma_start3A_314] : memref<10240x128xf32, #tpu.memory_space<vmem_shared>> -> memref<10240x128xf32, #tpu.memory_space<vmem_shared>>
      tpu.enqueue_indirect_dma source(%dma_start3A_309 : memref<128x128xf32, #tpu.memory_space<vmem>>) target(%dma_start3A_315 : memref<10240x128xf32, #tpu.memory_space<vmem_shared>>) offsets(%dma_start3A_312 : memref<128xi32, #tpu.memory_space<vmem>>) semaphore(%run_scoped3A_305 : memref<!tpu.dma_semaphore, #tpu.memory_space<semaphore_mem>>) {add = true}
      %dma_wait3A_316 = arith.constant 0 : i32
      %dma_wait3A_317 = arith.constant 0 : i32
      %dma_wait3A_318 = tpu.memref_slice %arg8[%run_scoped3A_288, %dma_wait3A_316, %dma_wait3A_317] : memref<2x128x128xf32, #tpu.memory_space<vmem>> -> memref<1x128x128xf32, #tpu.memory_space<vmem>>
      %dma_wait3A_319 = tpu.memref_squeeze %dma_wait3A_318 : memref<1x128x128xf32, #tpu.memory_space<vmem>> -> memref<128x128xf32, #tpu.memory_space<vmem>>
      %dma_wait3A_320 = arith.constant 0 : i32
      %dma_wait3A_321 = tpu.memref_slice %arg7[%run_scoped3A_289, %dma_wait3A_320] : memref<40x128xi32, #tpu.memory_space<vmem>> -> memref<1x128xi32, #tpu.memory_space<vmem>>
      %dma_wait3A_322 = tpu.memref_squeeze %dma_wait3A_321 : memref<1x128xi32, #tpu.memory_space<vmem>> -> memref<128xi32, #tpu.memory_space<vmem>>
      %dma_wait3A_323 = arith.constant 0 : i32
      %dma_wait3A_324 = arith.constant 0 : i32
      %dma_wait3A_325 = tpu.memref_slice %arg9[%dma_wait3A_323, %dma_wait3A_324] : memref<10240x128xf32, #tpu.memory_space<vmem_shared>> -> memref<10240x128xf32, #tpu.memory_space<vmem_shared>>
      tpu.wait_indirect_dma semaphore(%run_scoped3A_305 : memref<!tpu.dma_semaphore, #tpu.memory_space<semaphore_mem>>) src(%dma_wait3A_319 : memref<128x128xf32, #tpu.memory_space<vmem>>) dst(%dma_wait3A_325 : memref<10240x128xf32, #tpu.memory_space<vmem_shared>>)
      tpu.yield
    }) : () -> ()
    %dma_wait3A_290 = arith.constant 39 : i32
    %dma_wait3A_291 = arith.constant 1 : i32
    %dma_wait3A_292 = arith.constant 0 : i32
    %dma_wait3A_293 = arith.constant 0 : i32
    %dma_wait3A_294 = tpu.memref_slice %arg8[%dma_wait3A_291, %dma_wait3A_292, %dma_wait3A_293] : memref<2x128x128xf32, #tpu.memory_space<vmem>> -> memref<1x128x128xf32, #tpu.memory_space<vmem>>
    %dma_wait3A_295 = tpu.memref_squeeze %dma_wait3A_294 : memref<1x128x128xf32, #tpu.memory_space<vmem>> -> memref<128x128xf32, #tpu.memory_space<vmem>>
    %dma_wait3A_296 = arith.constant 0 : i32
    %dma_wait3A_297 = tpu.memref_slice %arg6[%dma_wait3A_290, %dma_wait3A_296] : memref<40x128xi32, #tpu.memory_space<vmem>> -> memref<1x128xi32, #tpu.memory_space<vmem>>
    %dma_wait3A_298 = tpu.memref_squeeze %dma_wait3A_297 : memref<1x128xi32, #tpu.memory_space<vmem>> -> memref<128xi32, #tpu.memory_space<vmem>>
    %dma_wait3A_299 = arith.constant 0 : i32
    %dma_wait3A_300 = arith.constant 0 : i32
    %dma_wait3A_301 = tpu.memref_slice %arg4[%dma_wait3A_299, %dma_wait3A_300] : memref<10000x128xf32, #tpu.memory_space<hbm>> -> memref<10000x128xf32, #tpu.memory_space<hbm>>
    tpu.wait_indirect_dma semaphore(%arg11 : memref<!tpu.dma_semaphore, #tpu.memory_space<semaphore_mem>>) src(%dma_wait3A_301 : memref<10000x128xf32, #tpu.memory_space<hbm>>) dst(%dma_wait3A_295 : memref<128x128xf32, #tpu.memory_space<vmem>>)
    %run_scoped3A_302 = arith.constant 1 : i32
    %run_scoped3A_303 = arith.constant 39 : i32
    "tpu.region"() ({
      %run_scoped3A_305 = tpu.sem_alloc : memref<!tpu.dma_semaphore, #tpu.memory_space<semaphore_mem>>
      %dma_start3A_306 = arith.constant 0 : i32
      %dma_start3A_307 = arith.constant 0 : i32
      %dma_start3A_308 = tpu.memref_slice %arg8[%run_scoped3A_302, %dma_start3A_306, %dma_start3A_307] : memref<2x128x128xf32, #tpu.memory_space<vmem>> -> memref<1x128x128xf32, #tpu.memory_space<vmem>>
      %dma_start3A_309 = tpu.memref_squeeze %dma_start3A_308 : memref<1x128x128xf32, #tpu.memory_space<vmem>> -> memref<128x128xf32, #tpu.memory_space<vmem>>
      %dma_start3A_310 = arith.constant 0 : i32
      %dma_start3A_311 = tpu.memref_slice %arg7[%run_scoped3A_303, %dma_start3A_310] : memref<40x128xi32, #tpu.memory_space<vmem>> -> memref<1x128xi32, #tpu.memory_space<vmem>>
      %dma_start3A_312 = tpu.memref_squeeze %dma_start3A_311 : memref<1x128xi32, #tpu.memory_space<vmem>> -> memref<128xi32, #tpu.memory_space<vmem>>
      %dma_start3A_313 = arith.constant 0 : i32
      %dma_start3A_314 = arith.constant 0 : i32
      %dma_start3A_315 = tpu.memref_slice %arg9[%dma_start3A_313, %dma_start3A_314] : memref<10240x128xf32, #tpu.memory_space<vmem_shared>> -> memref<10240x128xf32, #tpu.memory_space<vmem_shared>>
      tpu.enqueue_indirect_dma source(%dma_start3A_309 : memref<128x128xf32, #tpu.memory_space<vmem>>) target(%dma_start3A_315 : memref<10240x128xf32, #tpu.memory_space<vmem_shared>>) offsets(%dma_start3A_312 : memref<128xi32, #tpu.memory_space<vmem>>) semaphore(%run_scoped3A_305 : memref<!tpu.dma_semaphore, #tpu.memory_space<semaphore_mem>>) {add = true}
      %dma_wait3A_316 = arith.constant 0 : i32
      %dma_wait3A_317 = arith.constant 0 : i32
      %dma_wait3A_318 = tpu.memref_slice %arg8[%run_scoped3A_302, %dma_wait3A_316, %dma_wait3A_317] : memref<2x128x128xf32, #tpu.memory_space<vmem>> -> memref<1x128x128xf32, #tpu.memory_space<vmem>>
      %dma_wait3A_319 = tpu.memref_squeeze %dma_wait3A_318 : memref<1x128x128xf32, #tpu.memory_space<vmem>> -> memref<128x128xf32, #tpu.memory_space<vmem>>
      %dma_wait3A_320 = arith.constant 0 : i32
      %dma_wait3A_321 = tpu.memref_slice %arg7[%run_scoped3A_303, %dma_wait3A_320] : memref<40x128xi32, #tpu.memory_space<vmem>> -> memref<1x128xi32, #tpu.memory_space<vmem>>
      %dma_wait3A_322 = tpu.memref_squeeze %dma_wait3A_321 : memref<1x128xi32, #tpu.memory_space<vmem>> -> memref<128xi32, #tpu.memory_space<vmem>>
      %dma_wait3A_323 = arith.constant 0 : i32
      %dma_wait3A_324 = arith.constant 0 : i32
      %dma_wait3A_325 = tpu.memref_slice %arg9[%dma_wait3A_323, %dma_wait3A_324] : memref<10240x128xf32, #tpu.memory_space<vmem_shared>> -> memref<10240x128xf32, #tpu.memory_space<vmem_shared>>
      tpu.wait_indirect_dma semaphore(%run_scoped3A_305 : memref<!tpu.dma_semaphore, #tpu.memory_space<semaphore_mem>>) src(%dma_wait3A_319 : memref<128x128xf32, #tpu.memory_space<vmem>>) dst(%dma_wait3A_325 : memref<10240x128xf32, #tpu.memory_space<vmem_shared>>)
      tpu.yield
    }) : () -> ()
    %barrier3A_304 = arith.constant 0 : index
    tpu.barrier barrier_id(%barrier3A_304)
    "tpu.region"() ({
      %run_scoped3A_305 = tpu.sem_alloc : memref<!tpu.dma_semaphore, #tpu.memory_space<semaphore_mem>>
      %dma_start3A_306 = arith.constant 0 : i32
      %dma_start3A_307 = tpu.memref_slice %arg5[%arg0, %mul3A_23, %dma_start3A_306] : memref<2x10240x128xf32, #tpu.memory_space<hbm>> -> memref<1x640x128xf32, #tpu.memory_space<hbm>>
      %dma_start3A_308 = tpu.memref_squeeze %dma_start3A_307 : memref<1x640x128xf32, #tpu.memory_space<hbm>> -> memref<640x128xf32, #tpu.memory_space<hbm>>
      %dma_start3A_309 = arith.constant 0 : i32
      %dma_start3A_310 = tpu.memref_slice %arg9[%mul3A_23, %dma_start3A_309] : memref<10240x128xf32, #tpu.memory_space<vmem_shared>> -> memref<640x128xf32, #tpu.memory_space<vmem_shared>>
      tpu.enqueue_dma source(%dma_start3A_310 : memref<640x128xf32, #tpu.memory_space<vmem_shared>>) target(%dma_start3A_308 : memref<640x128xf32, #tpu.memory_space<hbm>>) target_semaphore(%run_scoped3A_305 : memref<!tpu.dma_semaphore, #tpu.memory_space<semaphore_mem>>)
      %dma_wait3A_311 = arith.constant 0 : i32
      %dma_wait3A_312 = tpu.memref_slice %arg5[%arg0, %mul3A_23, %dma_wait3A_311] : memref<2x10240x128xf32, #tpu.memory_space<hbm>> -> memref<1x640x128xf32, #tpu.memory_space<hbm>>
      %dma_wait3A_313 = tpu.memref_squeeze %dma_wait3A_312 : memref<1x640x128xf32, #tpu.memory_space<hbm>> -> memref<640x128xf32, #tpu.memory_space<hbm>>
      %dma_wait3A_314 = arith.constant 0 : i32
      %dma_wait3A_315 = tpu.memref_slice %arg9[%mul3A_23, %dma_wait3A_314] : memref<10240x128xf32, #tpu.memory_space<vmem_shared>> -> memref<640x128xf32, #tpu.memory_space<vmem_shared>>
      tpu.wait_dma2 semaphore(%run_scoped3A_305 : memref<!tpu.dma_semaphore, #tpu.memory_space<semaphore_mem>>) src(%dma_wait3A_315 : memref<640x128xf32, #tpu.memory_space<vmem_shared>>) dst(%dma_wait3A_313 : memref<640x128xf32, #tpu.memory_space<hbm>>)
      tpu.yield
    }) : () -> ()
    return
  }
}

module attributes {stable_mosaic.version = 14 : i64} {
  func.func @_tc_body(%arg0: i32, %arg1: memref<2000x128xf32, #tpu.memory_space<vmem>>, %arg2: memref<2000x128xf32, #tpu.memory_space<vmem>>, %arg3: memref<2000x128xf32, #tpu.memory_space<vmem>>, %arg4: memref<128x128xf32, #tpu.memory_space<vmem>>, %arg5: memref<1x128xf32, #tpu.memory_space<vmem>>, %arg6: memref<2000x128xf32, #tpu.memory_space<vmem>>) attributes {dimension_semantics = [#tpu.dimension_semantics<arbitrary>], iteration_bounds = array<i64: 5>, scalar_prefetch = 0 : i64, scratch_operands = 0 : i64, tpu.core_type = #tpu.core_type<tc>, window_params = [{transform_indices = @transform_0, window_bounds = array<i64: 2000, 128>}, {transform_indices = @transform_1, window_bounds = array<i64: 2000, 128>}, {transform_indices = @transform_2, window_bounds = array<i64: 2000, 128>}, {pipeline_mode = #tpu.pipeline_mode<synchronous>, transform_indices = @transform_3, window_bounds = array<i64: 128, 128>}, {pipeline_mode = #tpu.pipeline_mode<synchronous>, transform_indices = @transform_4, window_bounds = array<i64: 1, 128>}, {transform_indices = @transform_5, window_bounds = array<i64: 2000, 128>}]} {
    %get3A = arith.constant 0 : index
    %get3A_0 = arith.constant 0 : index
    %get3A_1 = vector.load %arg1[%get3A, %get3A_0] : memref<2000x128xf32, #tpu.memory_space<vmem>>, vector<2000x128xf32>
    %get3A_2 = arith.constant 0 : index
    %get3A_3 = arith.constant 0 : index
    %get3A_4 = vector.load %arg2[%get3A_2, %get3A_3] : memref<2000x128xf32, #tpu.memory_space<vmem>>, vector<2000x128xf32>
    %add3A = arith.addf %get3A_1, %get3A_4 : vector<2000x128xf32>
    %get3A_5 = arith.constant 0 : index
    %get3A_6 = arith.constant 0 : index
    %get3A_7 = vector.load %arg3[%get3A_5, %get3A_6] : memref<2000x128xf32, #tpu.memory_space<vmem>>, vector<2000x128xf32>
    %add3A_8 = arith.addf %add3A, %get3A_7 : vector<2000x128xf32>
    %get3A_9 = arith.constant 0 : index
    %get3A_10 = arith.constant 0 : index
    %get3A_11 = vector.load %arg4[%get3A_9, %get3A_10] : memref<128x128xf32, #tpu.memory_space<vmem>>, vector<128x128xf32>
    %dot_general3A = arith.constant dense<0.000000e+00> : vector<2000x128xf32>
    %dot_general3A_12 = tpu.matmul %add3A_8, %get3A_11, %dot_general3A {dimension_numbers = #tpu.dot_dimension_numbers<[1], [0], [0], [1], [0, 0, 1, 1], [], []>, transpose_lhs_hint = false} : vector<2000x128xf32>, vector<128x128xf32>, vector<2000x128xf32> -> vector<2000x128xf32>
    %get3A_13 = arith.constant 0 : index
    %get3A_14 = arith.constant 0 : index
    %get3A_15 = vector.load %arg5[%get3A_13, %get3A_14] : memref<1x128xf32, #tpu.memory_space<vmem>>, vector<1x128xf32>
    %add3A_16 = vector.broadcast %get3A_15 : vector<1x128xf32> to vector<2000x128xf32>
    %add3A_17 = arith.addf %dot_general3A_12, %add3A_16 : vector<2000x128xf32>
    %swap3A = arith.constant 0 : index
    %swap3A_18 = arith.constant 0 : index
    %swap3A_19 = vector.load %arg6[%swap3A, %swap3A_18] : memref<2000x128xf32, #tpu.memory_space<vmem>>, vector<2000x128xf32>
    tpu.vector_store %arg6[%swap3A, %swap3A_18], %add3A_17 {strides = array<i32>} : memref<2000x128xf32, #tpu.memory_space<vmem>>, vector<2000x128xf32>,
    return
  }
  func.func @transform_0(%arg0: i32) -> (i32, i32) {
    %c0_i32 = arith.constant 0 : i32
    %c0_i32_0 = arith.constant 0 : i32
    return %arg0, %c0_i32 : i32, i32
  }
  func.func @transform_1(%arg0: i32) -> (i32, i32) {
    %c0_i32 = arith.constant 0 : i32
    %c0_i32_0 = arith.constant 0 : i32
    return %arg0, %c0_i32 : i32, i32
  }
  func.func @transform_2(%arg0: i32) -> (i32, i32) {
    %c0_i32 = arith.constant 0 : i32
    %c0_i32_0 = arith.constant 0 : i32
    return %arg0, %c0_i32 : i32, i32
  }
  func.func @transform_3(%arg0: i32) -> (i32, i32) {
    %c0_i32 = arith.constant 0 : i32
    %c0_i32_0 = arith.constant 0 : i32
    %c0_i32_1 = arith.constant 0 : i32
    return %c0_i32, %c0_i32_0 : i32, i32
  }
  func.func @transform_4(%arg0: i32) -> (i32, i32) {
    %c0_i32 = arith.constant 0 : i32
    %c0_i32_0 = arith.constant 0 : i32
    %c0_i32_1 = arith.constant 0 : i32
    return %c0_i32, %c0_i32_0 : i32, i32
  }
  func.func @transform_5(%arg0: i32) -> (i32, i32) {
    %c0_i32 = arith.constant 0 : i32
    %c0_i32_0 = arith.constant 0 : i32
    return %arg0, %c0_i32 : i32, i32
  }
}

</mosaic_0001>

<sc_bundles>
// kernel: kernel.4.cloned.1.call-start
scs
__scs_entry_jumppad:
0x0: {  	(pc) =	sbr.rel $0x88, $3  }
0x1: {  	(tag) =	ssettag $0x0;
	lr =	simm.s32 $0x1  }
0x2: {  	[smem:$0x3F9D] =	sst lr;
	_ =	strace $0xD0000000  }
0x3: {  	_ = 	snop  }
0x4: {  	_ = 	snop  }
0x5: {  	_ = 	snop  }
0x6: {  	_ = 	snop  }
0x7: {  	_ = 	snop  }
__scs_overlays_trampoline_lowered:
0x8: {  	[smem:$0x3FAC] =	sst s0  }
0x9: {  	[smem:$0x3FAD] =	sst s1  }
0xa: {  	[smem:$0x3FAE] =	sst s2  }
0xb: {  	[smem:$0x3FAF] =	sst s3  }
0xc: {  	[smem:$0x3FB0] =	sst s4  }
0xd: {  	[smem:$0x3FB1] =	sst s5  }
0xe: {  	[smem:$0x3FB2] =	sst s6  }
0xf: {  	[smem:$0x3FB3] =	sst s7  }
0x10: {  	[smem:$0x3FB4] =	sst s8  }
0x11: {  	[smem:$0x3FB5] =	sst s9;
	s0 =	simm.s32 @!p0 $0x0  }
0x12: {  	s1 =	sld [smem:$0x3F9B];
	s0 =	simm.s32 @p0 $0x1  }
0x13: {  	[smem:$0x3FB6] =	sst s0;
	s0 =	simm.s32 @!p1 $0x0  }
0x14: {  	s2 =	sld [smem:$0x3F9A];
	s0 =	simm.s32 @p1 $0x1  }
0x15: {  	[smem:$0x3FB7] =	sst s0;
	s0 =	simm.s32 @!p2 $0x0  }
0x16: {  	s3 =	sld [smem:$0x3FDB];
	s0 =	simm.s32 @p2 $0x1  }
0x17: {  	s4 =	simm.s32 $0x1BF5;
	[smem:$0x3FB9] =	sst s0  }
0x18: {  	s0 =	sld [smem:$0x3F9C];
	_ =	swait.ge [sflag:s4], $0x0  }
0x19: {  	s7 =	sld [smem:$0x3F9D]  }
0x1a: {  	s8 =	sadd.s32 $0xFFFFE003, lr  }
0x1b: {  	s9 =	sadd.s32 $0xFFFFFEF7, lr;
	s5 =	simm.s32 $0xFFFFFFFF;
	p2 =	slt.u32 s8, $0xFFFFF086  }
0x1c: {  	p1 =	slt.u32 s9, $0xF7A;
	s5 =	simm.s32 @!p2 $0x0  }
0x1d: {  	s5 =	simm.s32 @p1 $0x1;
	p0 =	seq.s32 s7, s2  }
0x1e: {  	s7 =	smul.u32 @!p0 $0xF7A, s2;
	p2 =	seq.s32 @!p0 s5, $0x0  }
0x1f: {  	s9 =	smul.u32 $0xF7A, s1;
	s8 =	simm.s32 @!p0 $0x1BF5;
	p2 =	por !p2, p0  }
0x20: {  	[sflag:s8] =	ssyncset.s32 @!p0 $0xFFFFF086;
	s6 =	sadd.s32 @!p0 s3, s7;
	s7 =	simm.s32 @!p0 $0x108  }
0x21: {  	s3 =	sadd.s32 s3, s9;
	s6 =	sadd.s32 @!p0 $0x88, s6;
	s7 =	simm.s32 @p2 $0x1082  }
0x22: {  	[simem:s7], [sflag:s8] =	dma.local @!p0 [hbm:s6], $0xF7A  }
0x23: {  	s9 =	sor.u32 $0xD0000000, s2;
	s6 =	simm.s32 $0x108;
	_ =	swait.ge @!p0 [sflag:s8], $0x0  }
0x24: {  	s3 =	sadd.s32 $0x88, s3;
	s6 =	simm.s32 @!p1 $0x1082;
	[sflag:s4] =	ssyncset.s32 $0xFFFFF086  }
0x25: {  	[simem:s6], [sflag:s4] =	dma.local [hbm:s3], $0xF7A  }
0x26: {  	[smem:$0x3F9D] =	sst s1;
	(tag) =	ssettag s2;
	_ =	strace s9  }
0x27: {  	s1 =	sld [smem:$0x3FAD]  }
0x28: {  	s2 =	sld [smem:$0x3FAE]  }
0x29: {  	s4 =	sld [smem:$0x3FB0]  }
0x2a: {  	p0 =	seq.s32 s5, $0x0;
	s5 =	sld [smem:$0x3FB1]  }
0x2b: {  	s6 =	sld [smem:$0x3FB2]  }
0x2c: {  	s7 =	sld [smem:$0x3FB3]  }
0x2d: {  	s3 =	simm.s32 $0x108;
	s8 =	sld [smem:$0x3FB4]  }
0x2e: {  	s3 =	simm.s32 @!p0 $0x1082;
	s9 =	sld [smem:$0x3FB5]  }
0x2f: {  	lr =	sadd.s32 s0, s3;
	s0 =	sld [smem:$0x3FAC]  }
0x30: {  	s3 =	sld [smem:$0x3FAF]  }
0x31: {  	[smem:$0x3FB8] =	sst s10  }
0x32: {  	s10 =	sld [smem:$0x3FB6];
	_ =	sdelay $0x3  }
0x33: {  	p0 =	seq.s32 s10, $0x1;
	s10 =	sld [smem:$0x3FB8];
	_ =	sdelay $0x3  }
0x34: {  	[smem:$0x3FB8] =	sst s10  }
0x35: {  	s10 =	sld [smem:$0x3FB7];
	_ =	sdelay $0x3  }
0x36: {  	p1 =	seq.s32 s10, $0x1;
	s10 =	sld [smem:$0x3FB8];
	_ =	sdelay $0x3  }
0x37: {  	[smem:$0x3FB8] =	sst s10  }
0x38: {  	s10 =	sld [smem:$0x3FB9]  }
0x39: {  	_ = 	snop;
	(pc) =	sbr.ind lr, $3  }
0x3a: {  	_ = 	snop  }
0x3b: {  	_ = 	snop  }
0x3c: {  	p2 =	seq.s32 s10, $0x1;
	s10 =	sld [smem:$0x3FB8]  }
0x3d: {  	_ =	shalt  }
0x3e: {  	_ =	shalt  }
0x3f: {  	_ =	shalt  }
0x40: {  	_ =	shalt  }
0x41: {  	_ =	shalt  }
0x42: {  	_ =	shalt  }
0x43: {  	_ =	shalt  }
0x44: {  	_ =	shalt  }
0x45: {  	_ =	shalt  }
0x46: {  	_ =	shalt  }
0x47: {  	_ =	shalt  }
0x48: {  	_ =	shalt  }
0x49: {  	_ =	shalt  }
0x4a: {  	_ =	shalt  }
0x4b: {  	_ =	shalt  }
0x4c: {  	_ =	shalt  }
0x4d: {  	_ =	shalt  }
0x4e: {  	_ =	shalt  }
0x4f: {  	_ =	shalt  }
0x50: {  	_ =	shalt  }
0x51: {  	_ =	shalt  }
0x52: {  	_ =	shalt  }
0x53: {  	_ =	shalt  }
0x54: {  	_ =	shalt  }
0x55: {  	_ =	shalt  }
0x56: {  	_ =	shalt  }
0x57: {  	_ =	shalt  }
0x58: {  	_ =	shalt  }
0x59: {  	_ =	shalt  }
0x5a: {  	_ =	shalt  }
0x5b: {  	_ =	shalt  }
0x5c: {  	_ =	shalt  }
0x5d: {  	_ =	shalt  }
0x5e: {  	_ =	shalt  }
0x5f: {  	_ =	shalt  }
0x60: {  	_ =	shalt  }
0x61: {  	_ =	shalt  }
0x62: {  	_ =	shalt  }
0x63: {  	_ =	shalt  }
0x64: {  	_ =	shalt  }
0x65: {  	_ =	shalt  }
0x66: {  	_ =	shalt  }
0x67: {  	_ =	shalt  }
0x68: {  	_ =	shalt  }
0x69: {  	_ =	shalt  }
0x6a: {  	_ =	shalt  }
0x6b: {  	_ =	shalt  }
0x6c: {  	_ =	shalt  }
0x6d: {  	_ =	shalt  }
0x6e: {  	_ =	shalt  }
0x6f: {  	_ =	shalt  }
0x70: {  	_ =	shalt  }
0x71: {  	_ =	shalt  }
0x72: {  	_ =	shalt  }
0x73: {  	_ =	shalt  }
0x74: {  	_ =	shalt  }
0x75: {  	_ =	shalt  }
0x76: {  	_ =	shalt  }
0x77: {  	_ =	shalt  }
0x78: {  	_ =	shalt  }
0x79: {  	_ =	shalt  }
0x7a: {  	_ =	shalt  }
0x7b: {  	_ =	shalt  }
0x7c: {  	_ =	shalt  }
0x7d: {  	_ =	shalt  }
0x7e: {  	_ =	shalt  }
0x7f: {  	_ =	shalt  }
0x80: {  	_ =	shalt  }
0x81: {  	_ =	shalt  }
0x82: {  	_ =	shalt  }
0x83: {  	_ =	shalt  }
0x84: {  	_ =	shalt  }
0x85: {  	_ =	shalt  }
0x86: {  	_ =	shalt  }
0x87: {  	_ =	shalt  }
.Lfunc_end0:
.L_simem_size_0:
called_computation_lowered:
.L_overlay_start_0:
0x88: {  	s2 =	sld [smem:$0x3FD9]  }
0x89: {  	s3 =	sld [smem:$0x3FFE];
	_ =	sdelay $0x1  }
0x8a: {  	s1 =	srdreg.scid  }
0x8b: {  	s0 =	sand.u32 $0x1, s1  }
0x8c: {  	s17 =	sshll.u32 s0, $0xA;
	s2 =	sadd.s32 s3, s2  }
0x8d: {  	s2 =	sadd.s32 s2, s17  }
0x8e: {  	[smem:$0x3FC4] =	sst s2  }
0x8f: {  	_ = 	snop  }
0x90: {  	s2 =	sld [smem:$0x3FC9]  }
0x91: {  	s18 =	sld [smem:$0x3FD0];
	(tm) =	ssettm $0x1  }
0x92: {  	s4 =	sld [smem:$0x3FFB];
	_ =	sdelay $0x3  }
0x93: {  	_ =	strace s4  }
0x94: {  	s4 =	sld [smem:$0x3FFC];
	_ =	sdelay $0x3  }
0x95: {  	_ =	strace s4  }
0x96: {  	s4 =	sld [smem:$0x3FFD];
	_ =	sdelay $0x3  }
0x97: {  	_ =	strace s4  }
0x98: {  	_ =	strace $0x8FFFFFFF  }
0x99: {  	s19 =	sld [smem:$0x3FDB];
	_ =	sdelay $0x1  }
0x9a: {  	s5 =	simm.s32 $_scs_section_size  }
0x9b: {  	s6 =	simm.s32 $_size__tile_overlayer_lowered;
	s7 =	simm.s32 $_tile_overlayer_lowered  }
0x9c: {  	s22 =	simm.s32 $0x1BFF;
	s21 =	sshll.u32 s7, $0x1;
	s4 =	sadd.s32 s5, s19  }
0x9d: {  	s8 =	simm.s32 $0x0;
	s20 =	sshll.u32 s6, $0x1;
	s6 =	sadd.s32 s21, s4  }
0x9e: {  	[timem:s8], [sflag:s22] =	dma.local [hbm:s6], s20  }
0x9f: {  	_ =	swait.ge [sflag:s22], s20  }
0xa0: {  	s5 =	ssub.s32 $0x0, s20;
	[sflag:s22] =	ssyncset.done $0x0  }
0xa1: {  	[sflag:s22] =	ssyncadd.s32 s5;
	_ =	sdelay $0x1  }
0xa2: {  	s23 =	simm.s32 $0x1B8B  }
0xa3: {  	_ =	swait.ge [sflag:s23], $0x1  }
0xa4: {  	[sflag:s23] =	ssyncset.done $0x0  }
0xa5: {  	s25 =	simm.s32 $0x1B8E;
	s24 =	sld [smem:$0x3FFE];
	[sflag:s23] =	ssyncadd.s32 $0xFFFFFFFF  }
0xa6: {  	s26 =	simm.s32 $execute0_lowered;
	[smem:$0x3FD2] =	sst s25  }
0xa7: {  	s6 =	sshll.u32 s26, $0x1;
	_ =	strace $0x80000046;
	[dreg:$0x1] =	wrdreg $0xFFFFFFFF  }
0xa8: {  	s28 =	simm.s32 $_size_execute0_lowered;
	s4 =	sadd.s32 s4, s6;
	[dreg:$0x0] =	wrdreg $0x0  }
0xa9: {  	s6 =	sshll.u32 s28, $0x1;
	[dreg:$0x2] =	wrdreg s4  }
0xaa: {  	[dreg:$0x3] =	wrdreg s6  }
0xab: {  	[dreg:$0x4] =	wrdreg $0xC0  }
0xac: {  	_ =	task [dreg:s8], $0x5FFFF  }
0xad: {  	[dreg:$0x1] =	wrdreg $0xFFFFFFFF  }
0xae: {  	[dreg:$0x0] =	wrdreg $0x60  }
0xaf: {  	[dreg:$0x2] =	wrdreg s18  }
0xb0: {  	[dreg:$0x3] =	wrdreg s24  }
0xb1: {  	[dreg:$0x4] =	wrdreg s2  }
0xb2: {  	[dreg:$0x5] =	wrdreg $0xA8000  }
0xb3: {  	[dreg:$0x6] =	wrdreg $0x9  }
0xb4: {  	_ =	task.clear_ibuf [dreg:s8], $0x7FFFF;
	_ =	strace $0x90000046  }
0xb5: {  	s29 =	simm.s32 $0x9;
	_ =	strace $0x80000048  }
0xb6: {  	_ =	swait.ge [sflag:s29], $0x1  }
0xb7: {  	[sflag:s29] =	ssyncadd.s32 $0xFFFFFFFF  }
0xb8: {  	_ =	strace $0x90000048  }
0xb9: {  	_ =	sfence  }
0xba: {  	s30 =	sld [smem:$0x0];
	_ =	sdelay $0x2  }
0xbb: {  	s31 =	sshll.u32 s1, $0xD;
	s1 =	sshrl.u32 s1, $0x2  }
0xbc: {  	s3 =	sand.u32 $0x4000, s31;
	s1 =	sadd.s32 s1, s30  }
0xbd: {  	s0 =	sor.u32 s3, s0;
	s1 =	sshll.u32 s1, $0x11  }
0xbe: {  	s0 =	sor.u32 s1, s0  }
0xbf: {  	s0 =	sadd.s32 $0x8F2B, s0  }
0xc0: {  	[sflag:s0] =	ssyncadd.remote.s32 $0x1  }
0xc1: {  	_ =	sfence.sel $0xFFFF  }
0xc2: {  	[dreg:$0x0] =	wrdreg $0xFFFFFFFF;
	(pc) =	sbr.abs _section_cstart, $3  }
0xc3: {  	[dreg:$0x1] =	wrdreg $0xFFFFFFFF  }
0xc4: {  	_ =	task.clear_ibuf [dreg:s8], $0x2FFFF;
	_ =	strace $0x9FFFFFFF  }
0xc5: {  	(tm) =	ssettm $0x7FFFFFFF  }
tec
execute0_lowered:
.L_overlay_start_1:
0x0: {  	(tag) =	ssettag $0x1  }
0x1: {  	s12 =	rddreg [dreg:$0x0]  }
0x2: {  	s5 =	rddreg [dreg:$0x1]  }
0x3: {  	s1 =	rddreg [dreg:$0x2]  }
0x4: {  	s2 =	rddreg [dreg:$0x3];
	s3 =	srdreg.scid  }
0x5: {  	s24 =	simm.s32 $0x0;
	s0 =	stileid.u32;
	s17 =	simm.s32 $0x2800  }
0x6: {  	s18 =	simm.s32 $0x1;
	s19 =	simm.s32 $0x3;
	s20 =	simm.s32 $0x4  }
0x7: {  	s21 =	simm.s32 $0x80;
	s22 =	simm.s32 $0x6800;
	s23 =	simm.s32 $0x5  }
0x8: {  	s28 =	simm.s32 $0x2780;
	s29 =	simm.s32 $0x0;
	s6 =	sand.u32 $0x1, s3  }
0x9: {  	[smem:$0x7FF] =	sst s24;
	s8 =	smul.u32 $0x14000, s0;
	s13 =	sadd.s32 $0xA00, s5  }
0xa: {  	s9 =	sshll.u32 s0, $0x1;
	s26 =	smul.u32 $0x50000, s0;
	s24 =	simm.s32 $0x2  }
0xb: {  	s7 =	smul.u32 $0x140000, s6;
	s25 =	sor.u32 s6, s9;
	s6 =	ssub.s32 $0x2, s6  }
0xc: {  	_ =	strace $0x80000047;
	s30 =	sshrl.u32 s6, $0x1;
	s31 =	sshrl.u32 s26, $0x2  }
0xd: {  	s26 =	simm.s32 $0x2700;
	s7 =	sadd.s32 s8, s7;
	s8 =	smul.u32 $0x2800, s25  }
0xe: {  	s15 =	ssub.s32 s6, s30;
	s25 =	simm.s32 $0x1380;
	s7 =	sshrl.u32 s7, $0x3  }
0xf: {  	s15 =	smax.u32 s15, $0x1;
	s14 =	sadd.s32 s7, s5;
	s11 =	sshrl.u32 s8, $0x3  }
0x10: {  	s5 =	sadd.s32 s31, s2;
	s6 =	sadd.s32 s12, s11;
	s7 =	sadd.s32 s13, s11  }
0x11: {  	s8 =	sadd.s32 $0x4000, s5;
	s9 =	sadd.s32 $0x8000, s5;
	s10 =	sadd.s32 $0xC000, s5  }
0x12: {  	s16 =	sadd.s32 $0x280, s11;
	s11 =	sadd.s32 $0x10000, s5;
	s14 =	sadd.s32 $0xAA00, s14  }
0x13: {  	v0 =	vimm.f32 $0.0e+00;
	s12 =	sadd.s32 s12, s16;
	s13 =	sadd.s32 s13, s16;
	s16 =	simm.s32 $0x1400  }
.LBB2_1:
0x14: {  	s0 =	simm.s32 $0x0  }
0x15: {  	[tilespmem:s0], [sflag:$0x3] =	stream.linear.gather [hbm4b:s6+s0], $0x1400, $0x38;
	[tilespmem:$0x1E800] =	vst v63  }
0x16: {  	s30 =	simm.s32 $0x0;
	s31 =	simm.s32 $0x200  }
0x17: {  	[tilespmem:s16], [sflag:$0x4] =	stream.linear.gather [hbm4b:s7+s0], $0x1400, $0x38;
	[tilespmem:$0x1E800] =	vst v63  }
.LBB2_2:
0x18: {  	p0 =	sne.s32 s31, $0xFE00;
	[tilespmem:s30+$0x2870] =	vst v0  }
0x19: {  	[tilespmem:s30+$0x2800] =	vst v0  }
0x1a: {  	[tilespmem:s30+$0x2810] =	vst v0  }
.Ltmp0:
0x1b: {  	[tilespmem:s30+$0x2820] =	vst v0;
	(pc) =	sbr.rel @p0 .LBB2_2-.Ltmp0, $4  }
0x1c: {  	[tilespmem:s30+$0x2830] =	vst v0  }
0x1d: {  	[tilespmem:s30+$0x2840] =	vst v0  }
0x1e: {  	[tilespmem:s30+$0x2850] =	vst v0  }
0x1f: {  	[tilespmem:s30+$0x2860] =	vst v0;
	s30 =	sshra.s32 s31, $0x2;
	s31 =	sadd.s32 $0x200, s31  }
0x20: {  	[tilespmem:s30+$0x2870] =	vst v0  }
0x21: {  	[tilespmem:s30+$0x2800] =	vst v0  }
0x22: {  	[tilespmem:s30+$0x2810] =	vst v0  }
0x23: {  	[tilespmem:s30+$0x2820] =	vst v0  }
0x24: {  	[tilespmem:s30+$0x2830] =	vst v0  }
0x25: {  	[tilespmem:s30+$0x2840] =	vst v0  }
0x26: {  	[tilespmem:s30+$0x2850] =	vst v0  }
0x27: {  	[tilespmem:s30+$0x2860] =	vst v0  }
0x28: {  	[spmem:s5] =	stream.linear.scatter [tilespmem:s17], [sflag:$0x1], $0x4000, $0x38;
	[tilespmem:$0x1E800] =	vst v63  }
0x29: {  	_ = 	snop  }
0x2a: {  	[spmem:s8] =	stream.linear.scatter [tilespmem:s17], [sflag:$0x1], $0x4000, $0x38;
	[tilespmem:$0x1E800] =	vst v63  }
0x2b: {  	_ = 	snop  }
0x2c: {  	[spmem:s9] =	stream.linear.scatter [tilespmem:s17], [sflag:$0x1], $0x4000, $0x38;
	[tilespmem:$0x1E800] =	vst v63  }
0x2d: {  	_ = 	snop  }
0x2e: {  	[spmem:s10] =	stream.linear.scatter [tilespmem:s17], [sflag:$0x1], $0x4000, $0x38;
	[tilespmem:$0x1E800] =	vst v63  }
0x2f: {  	_ = 	snop  }
0x30: {  	[spmem:s11] =	stream.linear.scatter [tilespmem:s17], [sflag:$0x1], $0x4000, $0x38;
	[tilespmem:$0x1E800] =	vst v63  }
0x31: {  	_ =	swait.ge [sflag:s18], $0x4000  }
0x32: {  	[sflag:s18] =	ssyncset.done $0x0  }
0x33: {  	[sflag:s18] =	ssyncadd.s32 $0xFFFFC000  }
0x34: {  	_ =	swait.ge [sflag:s18], $0x4000  }
0x35: {  	[sflag:s18] =	ssyncset.done $0x0  }
0x36: {  	[sflag:s18] =	ssyncadd.s32 $0xFFFFC000  }
0x37: {  	_ =	swait.ge [sflag:s18], $0x4000  }
0x38: {  	[sflag:s18] =	ssyncset.done $0x0  }
0x39: {  	[sflag:s18] =	ssyncadd.s32 $0xFFFFC000  }
0x3a: {  	_ =	swait.ge [sflag:s18], $0x4000  }
0x3b: {  	[sflag:s18] =	ssyncset.done $0x0  }
0x3c: {  	[sflag:s18] =	ssyncadd.s32 $0xFFFFC000  }
0x3d: {  	_ =	swait.ge [sflag:s18], $0x4000  }
0x3e: {  	[sflag:s18] =	ssyncset.done $0x0  }
0x3f: {  	[sflag:s18] =	ssyncadd.s32 $0xFFFFC000  }
0x40: {  	_ =	swait.ge [sflag:s19], $0x1400  }
0x41: {  	[sflag:s19] =	ssyncset.done $0x0  }
0x42: {  	[sflag:s19] =	ssyncadd.s32 $0xFFFFEC00  }
0x43: {  	_ =	swait.ge [sflag:s20], $0x1400  }
0x44: {  	[sflag:s20] =	ssyncset.done $0x0  }
0x45: {  	[sflag:s20] =	ssyncadd.s32 $0xFFFFEC00  }
0x46: {  	s30 =	simm.s32 $0x0;
	[bflag:$0x0] =	sbarrier.arrive $0xFFFF  }
0x47: {  	[tilespmem:s17], [sflag:$0x1] =	stream.indirect.gather [hbm4b:s1+s21], $0x80, s30, s21, $0xb8;
	[tilespmem:$0x1E800] =	vst v63  }
0x48: {  	s30 =	simm.s32 $0x80  }
0x49: {  	[tilespmem:s22], [sflag:$0x2] =	stream.indirect.gather [hbm4b:s1+s21], $0x80, s30, s21, $0xb8;
	[tilespmem:$0x1E800] =	vst v63  }
0x4a: {  	_ =	swait.ge [sflag:s18], $0x4000  }
0x4b: {  	[sflag:s18] =	ssyncset.done $0x0  }
0x4c: {  	s30 =	simm.s32 $0x1400;
	[sflag:s18] =	ssyncadd.s32 $0xFFFFC000  }
0x4d: {  	[spmem:s2] =	stream.indirect.scatter.add.f32 [tilespmem:s17], [sflag:$0x5], $0x80, s30, s21, $0xb8;
	[tilespmem:$0x1E800] =	vst v63  }
0x4e: {  	_ =	swait.ge [sflag:s23], $0x4000  }
0x4f: {  	[sflag:s23] =	ssyncset.done $0x0  }
0x50: {  	s30 =	simm.s32 $0x100;
	[sflag:s23] =	ssyncadd.s32 $0xFFFFC000  }
0x51: {  	[tilespmem:s17], [sflag:$0x1] =	stream.indirect.gather [hbm4b:s1+s21], $0x80, s30, s21, $0xb8;
	[tilespmem:$0x1E800] =	vst v63  }
0x52: {  	_ =	swait.ge [sflag:s24], $0x4000  }
0x53: {  	[sflag:s24] =	ssyncset.done $0x0  }
0x54: {  	s30 =	simm.s32 $0x1480;
	[sflag:s24] =	ssyncadd.s32 $0xFFFFC000  }
0x55: {  	[spmem:s2] =	stream.indirect.scatter.add.f32 [tilespmem:s22], [sflag:$0x5], $0x80, s30, s21, $0xb8;
	[tilespmem:$0x1E800] =	vst v63  }
0x56: {  	_ =	swait.ge [sflag:s23], $0x4000  }
0x57: {  	s31 =	simm.s32 $0x800;
	s30 =	simm.s32 $0x100;
	[sflag:s23] =	ssyncset.done $0x0  }
.LBB2_4:
0x58: {  	s0 =	sadd.s32 $0x80, s30  }
0x59: {  	[sflag:s23] =	ssyncadd.s32 $0xFFFFC000;
	s3 =	smov.u32 s31;
	s4 =	sadd.s32 $0x400, s31  }
0x5a: {  	[tilespmem:s22], [sflag:$0x2] =	stream.indirect.gather [hbm4b:s1+s21], $0x80, s0, s21, $0xb8;
	[tilespmem:$0x1E800] =	vst v63  }
0x5b: {  	p0 =	sne.s32 s31, $0x4800;
	_ =	swait.ge [sflag:s18], $0x4000  }
0x5c: {  	[sflag:s18] =	ssyncset.done $0x0  }
0x5d: {  	s0 =	sadd.s32 $0x1400, s30;
	[sflag:s18] =	ssyncadd.s32 $0xFFFFC000  }
0x5e: {  	[spmem:s2] =	stream.indirect.scatter.add.f32 [tilespmem:s17], [sflag:$0x5], $0x80, s0, s21, $0xb8;
	[tilespmem:$0x1E800] =	vst v63  }
0x5f: {  	_ =	swait.ge [sflag:s23], $0x4000  }
0x60: {  	[sflag:s23] =	ssyncset.done $0x0  }
0x61: {  	s0 =	sadd.s32 $0x100, s30;
	[sflag:s23] =	ssyncadd.s32 $0xFFFFC000  }
0x62: {  	[tilespmem:s17], [sflag:$0x1] =	stream.indirect.gather [hbm4b:s1+s21], $0x80, s0, s21, $0xb8;
	[tilespmem:$0x1E800] =	vst v63  }
0x63: {  	_ =	swait.ge [sflag:s24], $0x4000  }
.Ltmp1:
0x64: {  	[sflag:s24] =	ssyncset.done $0x0;
	(pc) =	sbr.rel @p0 .LBB2_4-.Ltmp1, $4  }
0x65: {  	s0 =	sadd.s32 $0x1480, s30;
	[sflag:s24] =	ssyncadd.s32 $0xFFFFC000  }
0x66: {  	[spmem:s2] =	stream.indirect.scatter.add.f32 [tilespmem:s22], [sflag:$0x5], $0x80, s0, s21, $0xb8;
	[tilespmem:$0x1E800] =	vst v63  }
0x67: {  	_ =	swait.ge [sflag:s23], $0x4000  }
0x68: {  	s31 =	smov.u32 s4;
	s30 =	sshra.s32 s3, $0x2;
	[sflag:s23] =	ssyncset.done $0x0  }
0x69: {  	s0 =	sadd.s32 $0x80, s30;
	[sflag:s23] =	ssyncadd.s32 $0xFFFFC000  }
0x6a: {  	[tilespmem:s22], [sflag:$0x2] =	stream.indirect.gather [hbm4b:s1+s21], $0x80, s0, s21, $0xb8;
	[tilespmem:$0x1E800] =	vst v63  }
0x6b: {  	_ =	swait.ge [sflag:s18], $0x4000  }
0x6c: {  	[sflag:s18] =	ssyncset.done $0x0  }
0x6d: {  	s3 =	sadd.s32 $0x1400, s30;
	[sflag:s18] =	ssyncadd.s32 $0xFFFFC000  }
0x6e: {  	[spmem:s2] =	stream.indirect.scatter.add.f32 [tilespmem:s17], [sflag:$0x5], $0x80, s3, s21, $0xb8;
	[tilespmem:$0x1E800] =	vst v63  }
0x6f: {  	_ =	swait.ge [sflag:s23], $0x4000  }
0x70: {  	[sflag:s23] =	ssyncset.done $0x0  }
0x71: {  	s4 =	sadd.s32 $0x100, s30;
	[sflag:s23] =	ssyncadd.s32 $0xFFFFC000  }
0x72: {  	[tilespmem:s17], [sflag:$0x1] =	stream.indirect.gather [hbm4b:s1+s21], $0x80, s4, s21, $0xb8;
	[tilespmem:$0x1E800] =	vst v63  }
0x73: {  	_ =	swait.ge [sflag:s24], $0x4000  }
0x74: {  	[sflag:s24] =	ssyncset.done $0x0  }
0x75: {  	s3 =	sadd.s32 $0x1480, s30;
	[sflag:s24] =	ssyncadd.s32 $0xFFFFC000  }
0x76: {  	[spmem:s2] =	stream.indirect.scatter.add.f32 [tilespmem:s22], [sflag:$0x5], $0x80, s3, s21, $0xb8;
	[tilespmem:$0x1E800] =	vst v63  }
0x77: {  	_ =	swait.ge [sflag:s23], $0x4000  }
0x78: {  	[sflag:s23] =	ssyncset.done $0x0  }
0x79: {  	[sflag:s23] =	ssyncadd.s32 $0xFFFFC000  }
0x7a: {  	[tilespmem:s22], [sflag:$0x2] =	stream.indirect.gather [hbm4b:s1+s21], $0x80, s25, s21, $0xb8;
	[tilespmem:$0x1E800] =	vst v63  }
0x7b: {  	_ =	swait.ge [sflag:s18], $0x4000  }
0x7c: {  	[sflag:s18] =	ssyncset.done $0x0  }
0x7d: {  	[sflag:s18] =	ssyncadd.s32 $0xFFFFC000  }
0x7e: {  	[spmem:s2] =	stream.indirect.scatter.add.f32 [tilespmem:s17], [sflag:$0x5], $0x80, s26, s21, $0xb8;
	[tilespmem:$0x1E800] =	vst v63  }
0x7f: {  	_ =	swait.ge [sflag:s23], $0x4000  }
0x80: {  	[sflag:s23] =	ssyncset.done $0x0  }
0x81: {  	[sflag:s23] =	ssyncadd.s32 $0xFFFFC000  }
0x82: {  	_ =	swait.ge [sflag:s24], $0x4000  }
0x83: {  	[sflag:s24] =	ssyncset.done $0x0  }
0x84: {  	[sflag:s24] =	ssyncadd.s32 $0xFFFFC000  }
0x85: {  	[spmem:s2] =	stream.indirect.scatter.add.f32 [tilespmem:s22], [sflag:$0x5], $0x80, s28, s21, $0xb8;
	[tilespmem:$0x1E800] =	vst v63  }
0x86: {  	_ =	swait.ge [sflag:s23], $0x4000  }
0x87: {  	[sflag:s23] =	ssyncset.done $0x0  }
0x88: {  	s4 =	simm.s32 $0x0;
	[sflag:s23] =	ssyncadd.s32 $0xFFFFC000  }
0x89: {  	[tilespmem:s4], [sflag:$0x5] =	stream.linear.gather [hbm4b:s12+s4], $0x1400, $0x38;
	[tilespmem:$0x1E800] =	vst v63  }
0x8a: {  	_ =	swait.ge [sflag:s23], $0x1400  }
0x8b: {  	[sflag:s23] =	ssyncset.done $0x0  }
0x8c: {  	[sflag:s23] =	ssyncadd.s32 $0xFFFFEC00  }
0x8d: {  	[tilespmem:s16], [sflag:$0x5] =	stream.linear.gather [hbm4b:s13+s4], $0x1400, $0x38;
	[tilespmem:$0x1E800] =	vst v63  }
0x8e: {  	_ =	swait.ge [sflag:s23], $0x1400  }
0x8f: {  	[sflag:s23] =	ssyncset.done $0x0  }
0x90: {  	[sflag:s23] =	ssyncadd.s32 $0xFFFFEC00  }
0x91: {  	[tilespmem:s17], [sflag:$0x1] =	stream.indirect.gather [hbm4b:s1+s21], $0x80, s4, s21, $0xb8;
	[tilespmem:$0x1E800] =	vst v63  }
0x92: {  	s3 =	simm.s32 $0x80  }
0x93: {  	[tilespmem:s22], [sflag:$0x2] =	stream.indirect.gather [hbm4b:s1+s21], $0x80, s3, s21, $0xb8;
	[tilespmem:$0x1E800] =	vst v63  }
0x94: {  	_ =	swait.ge [sflag:s18], $0x4000  }
0x95: {  	[sflag:s18] =	ssyncset.done $0x0  }
0x96: {  	s4 =	simm.s32 $0x1400;
	[sflag:s18] =	ssyncadd.s32 $0xFFFFC000  }
0x97: {  	[spmem:s2] =	stream.indirect.scatter.add.f32 [tilespmem:s17], [sflag:$0x5], $0x80, s4, s21, $0xb8;
	[tilespmem:$0x1E800] =	vst v63  }
0x98: {  	_ =	swait.ge [sflag:s23], $0x4000  }
0x99: {  	[sflag:s23] =	ssyncset.done $0x0  }
0x9a: {  	s3 =	simm.s32 $0x100;
	[sflag:s23] =	ssyncadd.s32 $0xFFFFC000  }
0x9b: {  	[tilespmem:s17], [sflag:$0x1] =	stream.indirect.gather [hbm4b:s1+s21], $0x80, s3, s21, $0xb8;
	[tilespmem:$0x1E800] =	vst v63  }
0x9c: {  	_ =	swait.ge [sflag:s24], $0x4000  }
0x9d: {  	[sflag:s24] =	ssyncset.done $0x0  }
0x9e: {  	s4 =	simm.s32 $0x1480;
	[sflag:s24] =	ssyncadd.s32 $0xFFFFC000  }
0x9f: {  	[spmem:s2] =	stream.indirect.scatter.add.f32 [tilespmem:s22], [sflag:$0x5], $0x80, s4, s21, $0xb8;
	[tilespmem:$0x1E800] =	vst v63  }
0xa0: {  	_ =	swait.ge [sflag:s23], $0x4000  }
0xa1: {  	s31 =	simm.s32 $0x800;
	s30 =	simm.s32 $0x100;
	[sflag:s23] =	ssyncset.done $0x0  }
.LBB2_6:
0xa2: {  	s0 =	sadd.s32 $0x80, s30  }
0xa3: {  	[sflag:s23] =	ssyncadd.s32 $0xFFFFC000;
	s3 =	smov.u32 s31;
	s4 =	sadd.s32 $0x400, s31  }
0xa4: {  	[tilespmem:s22], [sflag:$0x2] =	stream.indirect.gather [hbm4b:s1+s21], $0x80, s0, s21, $0xb8;
	[tilespmem:$0x1E800] =	vst v63  }
0xa5: {  	p0 =	sne.s32 s31, $0x4800;
	_ =	swait.ge [sflag:s18], $0x4000  }
0xa6: {  	[sflag:s18] =	ssyncset.done $0x0  }
0xa7: {  	s0 =	sadd.s32 $0x1400, s30;
	[sflag:s18] =	ssyncadd.s32 $0xFFFFC000  }
0xa8: {  	[spmem:s2] =	stream.indirect.scatter.add.f32 [tilespmem:s17], [sflag:$0x5], $0x80, s0, s21, $0xb8;
	[tilespmem:$0x1E800] =	vst v63  }
0xa9: {  	_ =	swait.ge [sflag:s23], $0x4000  }
0xaa: {  	[sflag:s23] =	ssyncset.done $0x0  }
0xab: {  	s0 =	sadd.s32 $0x100, s30;
	[sflag:s23] =	ssyncadd.s32 $0xFFFFC000  }
0xac: {  	[tilespmem:s17], [sflag:$0x1] =	stream.indirect.gather [hbm4b:s1+s21], $0x80, s0, s21, $0xb8;
	[tilespmem:$0x1E800] =	vst v63  }
0xad: {  	_ =	swait.ge [sflag:s24], $0x4000  }
.Ltmp2:
0xae: {  	[sflag:s24] =	ssyncset.done $0x0;
	(pc) =	sbr.rel @p0 .LBB2_6-.Ltmp2, $4  }
0xaf: {  	s0 =	sadd.s32 $0x1480, s30;
	[sflag:s24] =	ssyncadd.s32 $0xFFFFC000  }
0xb0: {  	[spmem:s2] =	stream.indirect.scatter.add.f32 [tilespmem:s22], [sflag:$0x5], $0x80, s0, s21, $0xb8;
	[tilespmem:$0x1E800] =	vst v63  }
0xb1: {  	_ =	swait.ge [sflag:s23], $0x4000  }
0xb2: {  	s31 =	smov.u32 s4;
	s30 =	sshra.s32 s3, $0x2;
	[sflag:s23] =	ssyncset.done $0x0  }
0xb3: {  	s0 =	sadd.s32 $0x80, s30;
	[sflag:s23] =	ssyncadd.s32 $0xFFFFC000  }
0xb4: {  	[tilespmem:s22], [sflag:$0x2] =	stream.indirect.gather [hbm4b:s1+s21], $0x80, s0, s21, $0xb8;
	[tilespmem:$0x1E800] =	vst v63  }
0xb5: {  	_ =	swait.ge [sflag:s18], $0x4000  }
0xb6: {  	[sflag:s18] =	ssyncset.done $0x0  }
0xb7: {  	s3 =	sadd.s32 $0x1400, s30;
	[sflag:s18] =	ssyncadd.s32 $0xFFFFC000  }
0xb8: {  	[spmem:s2] =	stream.indirect.scatter.add.f32 [tilespmem:s17], [sflag:$0x5], $0x80, s3, s21, $0xb8;
	[tilespmem:$0x1E800] =	vst v63  }
0xb9: {  	_ =	swait.ge [sflag:s23], $0x4000  }
0xba: {  	[sflag:s23] =	ssyncset.done $0x0  }
0xbb: {  	s4 =	sadd.s32 $0x100, s30;
	[sflag:s23] =	ssyncadd.s32 $0xFFFFC000  }
0xbc: {  	[tilespmem:s17], [sflag:$0x1] =	stream.indirect.gather [hbm4b:s1+s21], $0x80, s4, s21, $0xb8;
	[tilespmem:$0x1E800] =	vst v63  }
0xbd: {  	_ =	swait.ge [sflag:s24], $0x4000  }
0xbe: {  	[sflag:s24] =	ssyncset.done $0x0  }
0xbf: {  	s30 =	sadd.s32 $0x1480, s30;
	[sflag:s24] =	ssyncadd.s32 $0xFFFFC000  }
0xc0: {  	[spmem:s2] =	stream.indirect.scatter.add.f32 [tilespmem:s22], [sflag:$0x5], $0x80, s30, s21, $0xb8;
	[tilespmem:$0x1E800] =	vst v63  }
0xc1: {  	_ =	swait.ge [sflag:s23], $0x4000  }
0xc2: {  	[sflag:s23] =	ssyncset.done $0x0  }
0xc3: {  	[sflag:s23] =	ssyncadd.s32 $0xFFFFC000  }
0xc4: {  	[tilespmem:s22], [sflag:$0x2] =	stream.indirect.gather [hbm4b:s1+s21], $0x80, s25, s21, $0xb8;
	[tilespmem:$0x1E800] =	vst v63  }
0xc5: {  	_ =	swait.ge [sflag:s18], $0x4000  }
0xc6: {  	[sflag:s18] =	ssyncset.done $0x0  }
0xc7: {  	[sflag:s18] =	ssyncadd.s32 $0xFFFFC000  }
0xc8: {  	[spmem:s2] =	stream.indirect.scatter.add.f32 [tilespmem:s17], [sflag:$0x5], $0x80, s26, s21, $0xb8;
	[tilespmem:$0x1E800] =	vst v63  }
0xc9: {  	_ =	swait.ge [sflag:s23], $0x4000  }
0xca: {  	[sflag:s23] =	ssyncset.done $0x0  }
0xcb: {  	[sflag:s23] =	ssyncadd.s32 $0xFFFFC000  }
0xcc: {  	_ =	swait.ge [sflag:s24], $0x4000  }
0xcd: {  	[sflag:s24] =	ssyncset.done $0x0  }
0xce: {  	[sflag:s24] =	ssyncadd.s32 $0xFFFFC000  }
0xcf: {  	[spmem:s2] =	stream.indirect.scatter.add.f32 [tilespmem:s22], [sflag:$0x5], $0x80, s28, s21, $0xb8;
	[tilespmem:$0x1E800] =	vst v63  }
0xd0: {  	s31 =	stileid.u32;
	_ =	swait.ge [sflag:s23], $0x4000  }
0xd1: {  	s29 =	sadd.s32 $0x1, s29;
	s0 =	sshll.u32 s31, $0x6;
	[sflag:s23] =	ssyncset.done $0x0  }
0xd2: {  	p0 =	sne.s32 s29, s15;
	s0 =	sor.u32 $0x1C05, s0;
	[sflag:s23] =	ssyncadd.s32 $0xFFFFC000  }
.Ltmp3:
0xd3: {  	s3 =	sshrl.u32 s5, $0x3;
	[bflag:$0x0] =	sbarrier.arrive $0xFFFF;
	(pc) =	sbr.rel @p0 .LBB2_1-.Ltmp3, $4  }
0xd4: {  	[hbm:s14], [sflag:s0] =	dma.local [spmem:s3], $0x2800  }
0xd5: {  	_ =	swait.ge [sflag:s23], $0x2800  }
0xd6: {  	[sflag:s23] =	ssyncset.done $0x0  }
0xd7: {  	[sflag:s23] =	ssyncadd.s32 $0xFFFFD800  }
0xd8: {  	_ =	sfence.sel $0x180000  }
0xd9: {  	[bflag:$0x0] =	sbarrier.arrive $0xFFFF  }
0xda: {  	_ =	strace $0x90000047  }
0xdb: {  	s0 =	stileid.u32;
	[bflag:$0x2] =	sbarrier.arrive $0xFFFF  }
0xdc: {  	p0 =	sne.s32 s0, $0x0;
	s0 =	rddreg [dreg:$0x4]  }
0xdd: {  	s0 =	sadd.s32 @!p0 $0x100000, s0  }
0xde: {  	[sflag:s0] =	ssyncadd.tile.s32 @!p0 $0x1;
	_ =	shalt  }
.Lfunc_end2:
_tile_overlayer_lowered:
.L_overlay_start_2:
0xdf: {  	(tag) =	ssettag $0x2  }
0xe0: {  	s0 =	rddreg [dreg:$0x0];
	s2 =	stileid.u32  }
0xe1: {  	s1 =	rddreg [dreg:$0x1];
	p0 =	sne.s32 s2, $0x0  }
0xe2: {  	s3 =	rddreg [dreg:$0x2];
	[bflag:$0x3] =	sbarrier.arrive $0xFFFF;
	s2 =	simm.s32 @!p0 $0x1C05  }
0xe3: {  	[timem:s3], [sflag:s2] =	dma.local @!p0 [hbm:s0], s1  }
0xe4: {  	s0 =	simm.s32 @!p0 $0x5  }
0xe5: {  	_ =	swait.ge @!p0 [sflag:s0], s1  }
0xe6: {  	s1 =	ssub.s32 @!p0 $0x0, s1;
	[sflag:s0] =	ssyncset.done @!p0 $0x0  }
0xe7: {  	[sflag:s0] =	ssyncadd.s32 @!p0 s1  }
0xe8: {  	[bflag:$0x3] =	sbarrier.arrive $0xFFFF  }
0xe9: {  	_ =	shalt  }

</sc_bundles>
